<compile_context>
chip_gen: v7x
topology: tpu7x:2x2x1
jax: 0.10.2.dev20260603
libtpu: 0.0.44.dev20260713+nightly
codegen_flags: <defaults>
</compile_context>

<pallas_src>
import functools

import jax
import jax.numpy as jnp
from jax import lax
from jax.experimental import pallas as pl
from jax.experimental.pallas import tpu as pltpu
from jax.experimental.pallas import tpu_sc as plsc

_NUM_CORES = 2
_NUM_SUBCORES = 16
_NUM_WORKERS = _NUM_CORES * _NUM_SUBCORES
_LANES = 16


def _make_sc_kernel(batch, seq, vpad, dim):
    rows_per_w = batch // _NUM_WORKERS
    groups = rows_per_w // _LANES
    chunk = rows_per_w * seq
    v_per_sub = vpad // _NUM_SUBCORES
    v_vregs = v_per_sub // _LANES
    mesh = plsc.VectorSubcoreMesh(core_axis_name="c", subcore_axis_name="s")

    @functools.partial(
        pl.kernel,
        mesh=mesh,
        compiler_params=pltpu.CompilerParams(needs_layout_passes=False),
        out_type=jax.ShapeDtypeStruct((batch,), jnp.float32),
        scratch_types=[
            pltpu.VMEM((vpad,), jnp.float32),
            pltpu.VMEM((chunk,), jnp.int32),
            pltpu.VMEM((rows_per_w,), jnp.float32),
            pltpu.VMEM((v_per_sub, dim), jnp.float32),
            pltpu.VMEM((48,), jnp.float32),
            pltpu.VMEM((v_per_sub,), jnp.float32),
            pltpu.VMEM_SHARED((vpad,), jnp.float32),
            pltpu.SemaphoreType.DMA,
        ],
    )
    def sc_kernel(tf_hbm, wb_hbm, x_hbm, out_hbm,
                  t_v, idx_v, out_v, tbl_v, wb_v, ts_v, t_sh, sem):
        wid = lax.axis_index("s") * _NUM_CORES + lax.axis_index("c")
        sid = lax.axis_index("s")

        idx_cp = pltpu.async_copy(
            x_hbm.at[pl.ds(wid * chunk, chunk)], idx_v, sem)

        pltpu.sync_copy(wb_hbm, wb_v)
        pltpu.sync_copy(
            tf_hbm.at[pl.ds(sid * v_per_sub, v_per_sub), :], tbl_v)
        inv_s = 1.0 / seq
        lane = lax.iota(jnp.int32, _LANES)
        wsplat = [
            plsc.load_gather(wb_v, [jnp.full((_LANES,), 1 + d, jnp.int32)])
            for d in range(dim)
        ]
        bsplat = plsc.load_gather(wb_v, [jnp.full((_LANES,), 1 + dim, jnp.int32)])
        for k in range(v_vregs):
            rowv = lane + (k * _LANES)
            acc = bsplat
            for d in range(dim):
                gv = plsc.load_gather(
                    tbl_v, [rowv, jnp.full((_LANES,), d, jnp.int32)])
                acc = acc + gv * wsplat[d]
            ts_v[pl.ds(k * _LANES, _LANES)] = acc * inv_s
        pltpu.sync_copy(ts_v, t_sh.at[pl.ds(sid * v_per_sub, v_per_sub)])
        plsc.subcore_barrier()
        pltpu.sync_copy(t_sh, t_v)

        idx_cp.wait()

        offs = [(g * _LANES + lane) * seq for g in range(groups)]

        def body(j, accs):
            out = []
            for g in range(groups):
                idxv = plsc.load_gather(idx_v, [offs[g] + j])
                out.append(accs[g] + plsc.load_gather(t_v, [idxv]))
            return tuple(out)

        accs = lax.fori_loop(
            0, seq, body,
            tuple(jnp.zeros((_LANES,), jnp.float32) for _ in range(groups)),
            unroll=4,
        )
        for g in range(groups):
            out_v[pl.ds(g * _LANES, _LANES)] = 1.0 / (1.0 + jnp.exp(-accs[g]))
        pltpu.sync_copy(out_v, out_hbm.at[pl.ds(wid * rows_per_w, rows_per_w)])

    return sc_kernel


def kernel(x, table, W, b):
    batch, seq = x.shape
    vocab, dim = table.shape
    vpad = ((vocab + 255) // 256) * 256

    tf = jnp.pad(table, ((0, vpad - vocab), (0, 0)))
    wb = jnp.concatenate([jnp.zeros((1,), jnp.float32), W.reshape(-1), b,
                          jnp.zeros((48 - dim - 2,), jnp.float32)])
    x_flat = x.reshape(-1).astype(jnp.int32)

    y = _make_sc_kernel(batch, seq, vpad, dim)(tf, wb, x_flat)
    return y.reshape(batch, 1)

# --- scband reference (transcript-rebuilt; emitter-appended) ---
"""Pipeline reference for scband-nlp-34454227648821 (READ-ONLY COPY).

The authoritative reference and input builder live on the scoring server;
editing this copy changes nothing except your own understanding.
"""

import jax, jax.numpy as jnp
import numpy as np

BATCH = 4096
SEQ = 200
VOCAB = 1000
DIM = 32

def setup_inputs(seed: int = 0) -> dict:
    key = jax.random.key(seed)
    k1, k2, k3, k4 = jax.random.split(key, 4)
    x = jax.random.randint(k1, (BATCH, SEQ), 0, VOCAB)
    table = jax.random.normal(k2, (VOCAB, DIM), dtype=jnp.float32)
    W = jax.random.normal(k3, (1, DIM), dtype=jnp.float32) * 0.1
    b = jnp.zeros((1,), dtype=jnp.float32)
    return {"x": x, "table": table, "W": W, "b": b}

def reference(x, table, W, b):
    # embedding lookup: (B, S) -> (B, S, D)
    e = jnp.take(table, x, axis=0)
    # transpose(1,2) + AvgPool1d(kernel=SEQ) + squeeze == mean over sequence axis
    pooled = jnp.mean(e, axis=1)  # (B, D)
    # linear (D -> 1) + sigmoid
    y = jax.nn.sigmoid(pooled @ W.T + b)  # (B, 1)
    return y

if __name__ == "__main__":
    import jax
    _d = setup_inputs()
    print(jax.jit(kernel)(*tuple(_d.values())))

</pallas_src>

<mosaic_0001>
#map = affine_map<(d0, d1) -> (0, 0)>
#map1 = affine_map<(d0, d1) -> (0)>
module attributes {stable_mosaic.version = 14 : i64} {
  func.func @sc_kernel(%arg0: i32, %arg1: i32, %arg2: memref<1024x32xf32, #tpu.memory_space<hbm>>, %arg3: memref<48xf32, #tpu.memory_space<hbm>>, %arg4: memref<819200xi32, #tpu.memory_space<hbm>>, %arg5: memref<4096xf32, #tpu.memory_space<hbm>>, %arg6: memref<1024xf32, #tpu.memory_space<vmem>>, %arg7: memref<25600xi32, #tpu.memory_space<vmem>>, %arg8: memref<128xf32, #tpu.memory_space<vmem>>, %arg9: memref<64x32xf32, #tpu.memory_space<vmem>>, %arg10: memref<48xf32, #tpu.memory_space<vmem>>, %arg11: memref<64xf32, #tpu.memory_space<vmem>>, %arg12: memref<1024xf32, #tpu.memory_space<vmem_shared>>, %arg13: memref<!tpu.dma_semaphore, #tpu.memory_space<semaphore_mem>>) attributes {dimension_semantics = [#tpu.dimension_semantics<core_parallel>, #tpu.dimension_semantics<subcore_parallel>], iteration_bounds = array<i64: 2, 16>, scalar_prefetch = 0 : i64, scratch_operands = 8 : i64, tpu.core_type = #tpu.core_type<sc_vector_subcore>, window_params = [{transform_indices = #map}, {transform_indices = #map1}, {transform_indices = #map1}, {transform_indices = #map1}]} {
    %mul3A = arith.constant 2 : i32
    %mul3A_0 = arith.muli %arg1, %mul3A : i32
    %add3A = arith.addi %mul3A_0, %arg0 : i32
    %mul3A_1 = arith.constant 25600 : i32
    %mul3A_2 = arith.muli %add3A, %mul3A_1 : i32
    %dma_start3A = tpu.memref_slice %arg4[%mul3A_2] : memref<819200xi32, #tpu.memory_space<hbm>> -> memref<25600xi32, #tpu.memory_space<hbm>>
    %dma_start3A_3 = tpu.memref_slice %arg4[%mul3A_2] : memref<819200xi32, #tpu.memory_space<hbm>> -> memref<25600xi32, #tpu.memory_space<hbm>>
    tpu.enqueue_dma source(%dma_start3A_3 : memref<25600xi32, #tpu.memory_space<hbm>>) target(%arg7 : memref<25600xi32, #tpu.memory_space<vmem>>) target_semaphore(%arg13 : memref<!tpu.dma_semaphore, #tpu.memory_space<semaphore_mem>>)
    "tpu.region"() ({
      %run_scoped3A = tpu.sem_alloc : memref<!tpu.dma_semaphore, #tpu.memory_space<semaphore_mem>>
      tpu.enqueue_dma source(%arg3 : memref<48xf32, #tpu.memory_space<hbm>>) target(%arg10 : memref<48xf32, #tpu.memory_space<vmem>>) target_semaphore(%run_scoped3A : memref<!tpu.dma_semaphore, #tpu.memory_space<semaphore_mem>>)
      tpu.wait_dma2 semaphore(%run_scoped3A : memref<!tpu.dma_semaphore, #tpu.memory_space<semaphore_mem>>) src(%arg3 : memref<48xf32, #tpu.memory_space<hbm>>) dst(%arg10 : memref<48xf32, #tpu.memory_space<vmem>>)
      tpu.yield
    }) : () -> ()
    %mul3A_4 = arith.constant 64 : i32
    %mul3A_5 = arith.muli %arg1, %mul3A_4 : i32
    "tpu.region"() ({
      %run_scoped3A = tpu.sem_alloc : memref<!tpu.dma_semaphore, #tpu.memory_space<semaphore_mem>>
      %dma_start3A_941 = arith.constant 0 : i32
      %dma_start3A_942 = tpu.memref_slice %arg2[%mul3A_5, %dma_start3A_941] : memref<1024x32xf32, #tpu.memory_space<hbm>> -> memref<64x32xf32, #tpu.memory_space<hbm>>
      %dma_start3A_943 = arith.constant 0 : i32
      %dma_start3A_944 = tpu.memref_slice %arg2[%mul3A_5, %dma_start3A_943] : memref<1024x32xf32, #tpu.memory_space<hbm>> -> memref<64x32xf32, #tpu.memory_space<hbm>>
      tpu.enqueue_dma source(%dma_start3A_944 : memref<64x32xf32, #tpu.memory_space<hbm>>) target(%arg9 : memref<64x32xf32, #tpu.memory_space<vmem>>) target_semaphore(%run_scoped3A : memref<!tpu.dma_semaphore, #tpu.memory_space<semaphore_mem>>)
      %dma_wait3A_945 = arith.constant 0 : i32
      %dma_wait3A_946 = tpu.memref_slice %arg2[%mul3A_5, %dma_wait3A_945] : memref<1024x32xf32, #tpu.memory_space<hbm>> -> memref<64x32xf32, #tpu.memory_space<hbm>>
      %dma_wait3A_947 = arith.constant 0 : i32
      %dma_wait3A_948 = tpu.memref_slice %arg2[%mul3A_5, %dma_wait3A_947] : memref<1024x32xf32, #tpu.memory_space<hbm>> -> memref<64x32xf32, #tpu.memory_space<hbm>>
      tpu.wait_dma2 semaphore(%run_scoped3A : memref<!tpu.dma_semaphore, #tpu.memory_space<semaphore_mem>>) src(%dma_wait3A_948 : memref<64x32xf32, #tpu.memory_space<hbm>>) dst(%arg9 : memref<64x32xf32, #tpu.memory_space<vmem>>)
      tpu.yield
    }) : () -> ()
    %iota3A = tpu.iota {dimensions = array<i32: 0>} : vector<16xi32>
    %broadcast_in_dim3A = arith.constant 1 : i32
    %broadcast_in_dim3A_6 = vector.broadcast %broadcast_in_dim3A : i32 to vector<16xi32>
    %gather3A = tpu.vector_load_idx %arg10[%broadcast_in_dim3A_6] : memref<48xf32, #tpu.memory_space<vmem>>[vector<16xi32>], vector<16xf32>,
    %broadcast_in_dim3A_7 = arith.constant 2 : i32
    %broadcast_in_dim3A_8 = vector.broadcast %broadcast_in_dim3A_7 : i32 to vector<16xi32>
    %gather3A_9 = tpu.vector_load_idx %arg10[%broadcast_in_dim3A_8] : memref<48xf32, #tpu.memory_space<vmem>>[vector<16xi32>], vector<16xf32>,
    %broadcast_in_dim3A_10 = arith.constant 3 : i32
    %broadcast_in_dim3A_11 = vector.broadcast %broadcast_in_dim3A_10 : i32 to vector<16xi32>
    %gather3A_12 = tpu.vector_load_idx %arg10[%broadcast_in_dim3A_11] : memref<48xf32, #tpu.memory_space<vmem>>[vector<16xi32>], vector<16xf32>,
    %broadcast_in_dim3A_13 = arith.constant 4 : i32
    %broadcast_in_dim3A_14 = vector.broadcast %broadcast_in_dim3A_13 : i32 to vector<16xi32>
    %gather3A_15 = tpu.vector_load_idx %arg10[%broadcast_in_dim3A_14] : memref<48xf32, #tpu.memory_space<vmem>>[vector<16xi32>], vector<16xf32>,
    %broadcast_in_dim3A_16 = arith.constant 5 : i32
    %broadcast_in_dim3A_17 = vector.broadcast %broadcast_in_dim3A_16 : i32 to vector<16xi32>
    %gather3A_18 = tpu.vector_load_idx %arg10[%broadcast_in_dim3A_17] : memref<48xf32, #tpu.memory_space<vmem>>[vector<16xi32>], vector<16xf32>,
    %broadcast_in_dim3A_19 = arith.constant 6 : i32
    %broadcast_in_dim3A_20 = vector.broadcast %broadcast_in_dim3A_19 : i32 to vector<16xi32>
    %gather3A_21 = tpu.vector_load_idx %arg10[%broadcast_in_dim3A_20] : memref<48xf32, #tpu.memory_space<vmem>>[vector<16xi32>], vector<16xf32>,
    %broadcast_in_dim3A_22 = arith.constant 7 : i32
    %broadcast_in_dim3A_23 = vector.broadcast %broadcast_in_dim3A_22 : i32 to vector<16xi32>
    %gather3A_24 = tpu.vector_load_idx %arg10[%broadcast_in_dim3A_23] : memref<48xf32, #tpu.memory_space<vmem>>[vector<16xi32>], vector<16xf32>,
    %broadcast_in_dim3A_25 = arith.constant 8 : i32
    %broadcast_in_dim3A_26 = vector.broadcast %broadcast_in_dim3A_25 : i32 to vector<16xi32>
    %gather3A_27 = tpu.vector_load_idx %arg10[%broadcast_in_dim3A_26] : memref<48xf32, #tpu.memory_space<vmem>>[vector<16xi32>], vector<16xf32>,
    %broadcast_in_dim3A_28 = arith.constant 9 : i32
    %broadcast_in_dim3A_29 = vector.broadcast %broadcast_in_dim3A_28 : i32 to vector<16xi32>
    %gather3A_30 = tpu.vector_load_idx %arg10[%broadcast_in_dim3A_29] : memref<48xf32, #tpu.memory_space<vmem>>[vector<16xi32>], vector<16xf32>,
    %broadcast_in_dim3A_31 = arith.constant 10 : i32
    %broadcast_in_dim3A_32 = vector.broadcast %broadcast_in_dim3A_31 : i32 to vector<16xi32>
    %gather3A_33 = tpu.vector_load_idx %arg10[%broadcast_in_dim3A_32] : memref<48xf32, #tpu.memory_space<vmem>>[vector<16xi32>], vector<16xf32>,
    %broadcast_in_dim3A_34 = arith.constant 11 : i32
    %broadcast_in_dim3A_35 = vector.broadcast %broadcast_in_dim3A_34 : i32 to vector<16xi32>
    %gather3A_36 = tpu.vector_load_idx %arg10[%broadcast_in_dim3A_35] : memref<48xf32, #tpu.memory_space<vmem>>[vector<16xi32>], vector<16xf32>,
    %broadcast_in_dim3A_37 = arith.constant 12 : i32
    %broadcast_in_dim3A_38 = vector.broadcast %broadcast_in_dim3A_37 : i32 to vector<16xi32>
    %gather3A_39 = tpu.vector_load_idx %arg10[%broadcast_in_dim3A_38] : memref<48xf32, #tpu.memory_space<vmem>>[vector<16xi32>], vector<16xf32>,
    %broadcast_in_dim3A_40 = arith.constant 13 : i32
    %broadcast_in_dim3A_41 = vector.broadcast %broadcast_in_dim3A_40 : i32 to vector<16xi32>
    %gather3A_42 = tpu.vector_load_idx %arg10[%broadcast_in_dim3A_41] : memref<48xf32, #tpu.memory_space<vmem>>[vector<16xi32>], vector<16xf32>,
    %broadcast_in_dim3A_43 = arith.constant 14 : i32
    %broadcast_in_dim3A_44 = vector.broadcast %broadcast_in_dim3A_43 : i32 to vector<16xi32>
    %gather3A_45 = tpu.vector_load_idx %arg10[%broadcast_in_dim3A_44] : memref<48xf32, #tpu.memory_space<vmem>>[vector<16xi32>], vector<16xf32>,
    %broadcast_in_dim3A_46 = arith.constant 15 : i32
    %broadcast_in_dim3A_47 = vector.broadcast %broadcast_in_dim3A_46 : i32 to vector<16xi32>
    %gather3A_48 = tpu.vector_load_idx %arg10[%broadcast_in_dim3A_47] : memref<48xf32, #tpu.memory_space<vmem>>[vector<16xi32>], vector<16xf32>,
    %broadcast_in_dim3A_49 = arith.constant 16 : i32
    %broadcast_in_dim3A_50 = vector.broadcast %broadcast_in_dim3A_49 : i32 to vector<16xi32>
    %gather3A_51 = tpu.vector_load_idx %arg10[%broadcast_in_dim3A_50] : memref<48xf32, #tpu.memory_space<vmem>>[vector<16xi32>], vector<16xf32>,
    %broadcast_in_dim3A_52 = arith.constant 17 : i32
    %broadcast_in_dim3A_53 = vector.broadcast %broadcast_in_dim3A_52 : i32 to vector<16xi32>
    %gather3A_54 = tpu.vector_load_idx %arg10[%broadcast_in_dim3A_53] : memref<48xf32, #tpu.memory_space<vmem>>[vector<16xi32>], vector<16xf32>,
    %broadcast_in_dim3A_55 = arith.constant 18 : i32
    %broadcast_in_dim3A_56 = vector.broadcast %broadcast_in_dim3A_55 : i32 to vector<16xi32>
    %gather3A_57 = tpu.vector_load_idx %arg10[%broadcast_in_dim3A_56] : memref<48xf32, #tpu.memory_space<vmem>>[vector<16xi32>], vector<16xf32>,
    %broadcast_in_dim3A_58 = arith.constant 19 : i32
    %broadcast_in_dim3A_59 = vector.broadcast %broadcast_in_dim3A_58 : i32 to vector<16xi32>
    %gather3A_60 = tpu.vector_load_idx %arg10[%broadcast_in_dim3A_59] : memref<48xf32, #tpu.memory_space<vmem>>[vector<16xi32>], vector<16xf32>,
    %broadcast_in_dim3A_61 = arith.constant 20 : i32
    %broadcast_in_dim3A_62 = vector.broadcast %broadcast_in_dim3A_61 : i32 to vector<16xi32>
    %gather3A_63 = tpu.vector_load_idx %arg10[%broadcast_in_dim3A_62] : memref<48xf32, #tpu.memory_space<vmem>>[vector<16xi32>], vector<16xf32>,
    %broadcast_in_dim3A_64 = arith.constant 21 : i32
    %broadcast_in_dim3A_65 = vector.broadcast %broadcast_in_dim3A_64 : i32 to vector<16xi32>
    %gather3A_66 = tpu.vector_load_idx %arg10[%broadcast_in_dim3A_65] : memref<48xf32, #tpu.memory_space<vmem>>[vector<16xi32>], vector<16xf32>,
    %broadcast_in_dim3A_67 = arith.constant 22 : i32
    %broadcast_in_dim3A_68 = vector.broadcast %broadcast_in_dim3A_67 : i32 to vector<16xi32>
    %gather3A_69 = tpu.vector_load_idx %arg10[%broadcast_in_dim3A_68] : memref<48xf32, #tpu.memory_space<vmem>>[vector<16xi32>], vector<16xf32>,
    %broadcast_in_dim3A_70 = arith.constant 23 : i32
    %broadcast_in_dim3A_71 = vector.broadcast %broadcast_in_dim3A_70 : i32 to vector<16xi32>
    %gather3A_72 = tpu.vector_load_idx %arg10[%broadcast_in_dim3A_71] : memref<48xf32, #tpu.memory_space<vmem>>[vector<16xi32>], vector<16xf32>,
    %broadcast_in_dim3A_73 = arith.constant 24 : i32
    %broadcast_in_dim3A_74 = vector.broadcast %broadcast_in_dim3A_73 : i32 to vector<16xi32>
    %gather3A_75 = tpu.vector_load_idx %arg10[%broadcast_in_dim3A_74] : memref<48xf32, #tpu.memory_space<vmem>>[vector<16xi32>], vector<16xf32>,
    %broadcast_in_dim3A_76 = arith.constant 25 : i32
    %broadcast_in_dim3A_77 = vector.broadcast %broadcast_in_dim3A_76 : i32 to vector<16xi32>
    %gather3A_78 = tpu.vector_load_idx %arg10[%broadcast_in_dim3A_77] : memref<48xf32, #tpu.memory_space<vmem>>[vector<16xi32>], vector<16xf32>,
    %broadcast_in_dim3A_79 = arith.constant 26 : i32
    %broadcast_in_dim3A_80 = vector.broadcast %broadcast_in_dim3A_79 : i32 to vector<16xi32>
    %gather3A_81 = tpu.vector_load_idx %arg10[%broadcast_in_dim3A_80] : memref<48xf32, #tpu.memory_space<vmem>>[vector<16xi32>], vector<16xf32>,
    %broadcast_in_dim3A_82 = arith.constant 27 : i32
    %broadcast_in_dim3A_83 = vector.broadcast %broadcast_in_dim3A_82 : i32 to vector<16xi32>
    %gather3A_84 = tpu.vector_load_idx %arg10[%broadcast_in_dim3A_83] : memref<48xf32, #tpu.memory_space<vmem>>[vector<16xi32>], vector<16xf32>,
    %broadcast_in_dim3A_85 = arith.constant 28 : i32
    %broadcast_in_dim3A_86 = vector.broadcast %broadcast_in_dim3A_85 : i32 to vector<16xi32>
    %gather3A_87 = tpu.vector_load_idx %arg10[%broadcast_in_dim3A_86] : memref<48xf32, #tpu.memory_space<vmem>>[vector<16xi32>], vector<16xf32>,
    %broadcast_in_dim3A_88 = arith.constant 29 : i32
    %broadcast_in_dim3A_89 = vector.broadcast %broadcast_in_dim3A_88 : i32 to vector<16xi32>
    %gather3A_90 = tpu.vector_load_idx %arg10[%broadcast_in_dim3A_89] : memref<48xf32, #tpu.memory_space<vmem>>[vector<16xi32>], vector<16xf32>,
    %broadcast_in_dim3A_91 = arith.constant 30 : i32
    %broadcast_in_dim3A_92 = vector.broadcast %broadcast_in_dim3A_91 : i32 to vector<16xi32>
    %gather3A_93 = tpu.vector_load_idx %arg10[%broadcast_in_dim3A_92] : memref<48xf32, #tpu.memory_space<vmem>>[vector<16xi32>], vector<16xf32>,
    %broadcast_in_dim3A_94 = arith.constant 31 : i32
    %broadcast_in_dim3A_95 = vector.broadcast %broadcast_in_dim3A_94 : i32 to vector<16xi32>
    %gather3A_96 = tpu.vector_load_idx %arg10[%broadcast_in_dim3A_95] : memref<48xf32, #tpu.memory_space<vmem>>[vector<16xi32>], vector<16xf32>,
    %broadcast_in_dim3A_97 = arith.constant 32 : i32
    %broadcast_in_dim3A_98 = vector.broadcast %broadcast_in_dim3A_97 : i32 to vector<16xi32>
    %gather3A_99 = tpu.vector_load_idx %arg10[%broadcast_in_dim3A_98] : memref<48xf32, #tpu.memory_space<vmem>>[vector<16xi32>], vector<16xf32>,
    %broadcast_in_dim3A_100 = arith.constant 33 : i32
    %broadcast_in_dim3A_101 = vector.broadcast %broadcast_in_dim3A_100 : i32 to vector<16xi32>
    %gather3A_102 = tpu.vector_load_idx %arg10[%broadcast_in_dim3A_101] : memref<48xf32, #tpu.memory_space<vmem>>[vector<16xi32>], vector<16xf32>,
    %add3A_103 = arith.constant 0 : i32
    %add3A_104 = vector.broadcast %add3A_103 : i32 to vector<16xi32>
    %add3A_105 = arith.addi %iota3A, %add3A_104 : vector<16xi32>
    %broadcast_in_dim3A_106 = arith.constant 0 : i32
    %broadcast_in_dim3A_107 = vector.broadcast %broadcast_in_dim3A_106 : i32 to vector<16xi32>
    %gather3A_108 = tpu.vector_load_idx %arg9[%add3A_105, %broadcast_in_dim3A_107] : memref<64x32xf32, #tpu.memory_space<vmem>>[vector<16xi32>, vector<16xi32>], vector<16xf32>,
    %mul3A_109 = arith.mulf %gather3A_108, %gather3A : vector<16xf32>
    %add3A_110 = arith.addf %gather3A_102, %mul3A_109 : vector<16xf32>
    %broadcast_in_dim3A_111 = arith.constant 1 : i32
    %broadcast_in_dim3A_112 = vector.broadcast %broadcast_in_dim3A_111 : i32 to vector<16xi32>
    %gather3A_113 = tpu.vector_load_idx %arg9[%add3A_105, %broadcast_in_dim3A_112] : memref<64x32xf32, #tpu.memory_space<vmem>>[vector<16xi32>, vector<16xi32>], vector<16xf32>,
    %mul3A_114 = arith.mulf %gather3A_113, %gather3A_9 : vector<16xf32>
    %add3A_115 = arith.addf %add3A_110, %mul3A_114 : vector<16xf32>
    %broadcast_in_dim3A_116 = arith.constant 2 : i32
    %broadcast_in_dim3A_117 = vector.broadcast %broadcast_in_dim3A_116 : i32 to vector<16xi32>
    %gather3A_118 = tpu.vector_load_idx %arg9[%add3A_105, %broadcast_in_dim3A_117] : memref<64x32xf32, #tpu.memory_space<vmem>>[vector<16xi32>, vector<16xi32>], vector<16xf32>,
    %mul3A_119 = arith.mulf %gather3A_118, %gather3A_12 : vector<16xf32>
    %add3A_120 = arith.addf %add3A_115, %mul3A_119 : vector<16xf32>
    %broadcast_in_dim3A_121 = arith.constant 3 : i32
    %broadcast_in_dim3A_122 = vector.broadcast %broadcast_in_dim3A_121 : i32 to vector<16xi32>
    %gather3A_123 = tpu.vector_load_idx %arg9[%add3A_105, %broadcast_in_dim3A_122] : memref<64x32xf32, #tpu.memory_space<vmem>>[vector<16xi32>, vector<16xi32>], vector<16xf32>,
    %mul3A_124 = arith.mulf %gather3A_123, %gather3A_15 : vector<16xf32>
    %add3A_125 = arith.addf %add3A_120, %mul3A_124 : vector<16xf32>
    %broadcast_in_dim3A_126 = arith.constant 4 : i32
    %broadcast_in_dim3A_127 = vector.broadcast %broadcast_in_dim3A_126 : i32 to vector<16xi32>
    %gather3A_128 = tpu.vector_load_idx %arg9[%add3A_105, %broadcast_in_dim3A_127] : memref<64x32xf32, #tpu.memory_space<vmem>>[vector<16xi32>, vector<16xi32>], vector<16xf32>,
    %mul3A_129 = arith.mulf %gather3A_128, %gather3A_18 : vector<16xf32>
    %add3A_130 = arith.addf %add3A_125, %mul3A_129 : vector<16xf32>
    %broadcast_in_dim3A_131 = arith.constant 5 : i32
    %broadcast_in_dim3A_132 = vector.broadcast %broadcast_in_dim3A_131 : i32 to vector<16xi32>
    %gather3A_133 = tpu.vector_load_idx %arg9[%add3A_105, %broadcast_in_dim3A_132] : memref<64x32xf32, #tpu.memory_space<vmem>>[vector<16xi32>, vector<16xi32>], vector<16xf32>,
    %mul3A_134 = arith.mulf %gather3A_133, %gather3A_21 : vector<16xf32>
    %add3A_135 = arith.addf %add3A_130, %mul3A_134 : vector<16xf32>
    %broadcast_in_dim3A_136 = arith.constant 6 : i32
    %broadcast_in_dim3A_137 = vector.broadcast %broadcast_in_dim3A_136 : i32 to vector<16xi32>
    %gather3A_138 = tpu.vector_load_idx %arg9[%add3A_105, %broadcast_in_dim3A_137] : memref<64x32xf32, #tpu.memory_space<vmem>>[vector<16xi32>, vector<16xi32>], vector<16xf32>,
    %mul3A_139 = arith.mulf %gather3A_138, %gather3A_24 : vector<16xf32>
    %add3A_140 = arith.addf %add3A_135, %mul3A_139 : vector<16xf32>
    %broadcast_in_dim3A_141 = arith.constant 7 : i32
    %broadcast_in_dim3A_142 = vector.broadcast %broadcast_in_dim3A_141 : i32 to vector<16xi32>
    %gather3A_143 = tpu.vector_load_idx %arg9[%add3A_105, %broadcast_in_dim3A_142] : memref<64x32xf32, #tpu.memory_space<vmem>>[vector<16xi32>, vector<16xi32>], vector<16xf32>,
    %mul3A_144 = arith.mulf %gather3A_143, %gather3A_27 : vector<16xf32>
    %add3A_145 = arith.addf %add3A_140, %mul3A_144 : vector<16xf32>
    %broadcast_in_dim3A_146 = arith.constant 8 : i32
    %broadcast_in_dim3A_147 = vector.broadcast %broadcast_in_dim3A_146 : i32 to vector<16xi32>
    %gather3A_148 = tpu.vector_load_idx %arg9[%add3A_105, %broadcast_in_dim3A_147] : memref<64x32xf32, #tpu.memory_space<vmem>>[vector<16xi32>, vector<16xi32>], vector<16xf32>,
    %mul3A_149 = arith.mulf %gather3A_148, %gather3A_30 : vector<16xf32>
    %add3A_150 = arith.addf %add3A_145, %mul3A_149 : vector<16xf32>
    %broadcast_in_dim3A_151 = arith.constant 9 : i32
    %broadcast_in_dim3A_152 = vector.broadcast %broadcast_in_dim3A_151 : i32 to vector<16xi32>
    %gather3A_153 = tpu.vector_load_idx %arg9[%add3A_105, %broadcast_in_dim3A_152] : memref<64x32xf32, #tpu.memory_space<vmem>>[vector<16xi32>, vector<16xi32>], vector<16xf32>,
    %mul3A_154 = arith.mulf %gather3A_153, %gather3A_33 : vector<16xf32>
    %add3A_155 = arith.addf %add3A_150, %mul3A_154 : vector<16xf32>
    %broadcast_in_dim3A_156 = arith.constant 10 : i32
    %broadcast_in_dim3A_157 = vector.broadcast %broadcast_in_dim3A_156 : i32 to vector<16xi32>
    %gather3A_158 = tpu.vector_load_idx %arg9[%add3A_105, %broadcast_in_dim3A_157] : memref<64x32xf32, #tpu.memory_space<vmem>>[vector<16xi32>, vector<16xi32>], vector<16xf32>,
    %mul3A_159 = arith.mulf %gather3A_158, %gather3A_36 : vector<16xf32>
    %add3A_160 = arith.addf %add3A_155, %mul3A_159 : vector<16xf32>
    %broadcast_in_dim3A_161 = arith.constant 11 : i32
    %broadcast_in_dim3A_162 = vector.broadcast %broadcast_in_dim3A_161 : i32 to vector<16xi32>
    %gather3A_163 = tpu.vector_load_idx %arg9[%add3A_105, %broadcast_in_dim3A_162] : memref<64x32xf32, #tpu.memory_space<vmem>>[vector<16xi32>, vector<16xi32>], vector<16xf32>,
    %mul3A_164 = arith.mulf %gather3A_163, %gather3A_39 : vector<16xf32>
    %add3A_165 = arith.addf %add3A_160, %mul3A_164 : vector<16xf32>
    %broadcast_in_dim3A_166 = arith.constant 12 : i32
    %broadcast_in_dim3A_167 = vector.broadcast %broadcast_in_dim3A_166 : i32 to vector<16xi32>
    %gather3A_168 = tpu.vector_load_idx %arg9[%add3A_105, %broadcast_in_dim3A_167] : memref<64x32xf32, #tpu.memory_space<vmem>>[vector<16xi32>, vector<16xi32>], vector<16xf32>,
    %mul3A_169 = arith.mulf %gather3A_168, %gather3A_42 : vector<16xf32>
    %add3A_170 = arith.addf %add3A_165, %mul3A_169 : vector<16xf32>
    %broadcast_in_dim3A_171 = arith.constant 13 : i32
    %broadcast_in_dim3A_172 = vector.broadcast %broadcast_in_dim3A_171 : i32 to vector<16xi32>
    %gather3A_173 = tpu.vector_load_idx %arg9[%add3A_105, %broadcast_in_dim3A_172] : memref<64x32xf32, #tpu.memory_space<vmem>>[vector<16xi32>, vector<16xi32>], vector<16xf32>,
    %mul3A_174 = arith.mulf %gather3A_173, %gather3A_45 : vector<16xf32>
    %add3A_175 = arith.addf %add3A_170, %mul3A_174 : vector<16xf32>
    %broadcast_in_dim3A_176 = arith.constant 14 : i32
    %broadcast_in_dim3A_177 = vector.broadcast %broadcast_in_dim3A_176 : i32 to vector<16xi32>
    %gather3A_178 = tpu.vector_load_idx %arg9[%add3A_105, %broadcast_in_dim3A_177] : memref<64x32xf32, #tpu.memory_space<vmem>>[vector<16xi32>, vector<16xi32>], vector<16xf32>,
    %mul3A_179 = arith.mulf %gather3A_178, %gather3A_48 : vector<16xf32>
    %add3A_180 = arith.addf %add3A_175, %mul3A_179 : vector<16xf32>
    %broadcast_in_dim3A_181 = arith.constant 15 : i32
    %broadcast_in_dim3A_182 = vector.broadcast %broadcast_in_dim3A_181 : i32 to vector<16xi32>
    %gather3A_183 = tpu.vector_load_idx %arg9[%add3A_105, %broadcast_in_dim3A_182] : memref<64x32xf32, #tpu.memory_space<vmem>>[vector<16xi32>, vector<16xi32>], vector<16xf32>,
    %mul3A_184 = arith.mulf %gather3A_183, %gather3A_51 : vector<16xf32>
    %add3A_185 = arith.addf %add3A_180, %mul3A_184 : vector<16xf32>
    %broadcast_in_dim3A_186 = arith.constant 16 : i32
    %broadcast_in_dim3A_187 = vector.broadcast %broadcast_in_dim3A_186 : i32 to vector<16xi32>
    %gather3A_188 = tpu.vector_load_idx %arg9[%add3A_105, %broadcast_in_dim3A_187] : memref<64x32xf32, #tpu.memory_space<vmem>>[vector<16xi32>, vector<16xi32>], vector<16xf32>,
    %mul3A_189 = arith.mulf %gather3A_188, %gather3A_54 : vector<16xf32>
    %add3A_190 = arith.addf %add3A_185, %mul3A_189 : vector<16xf32>
    %broadcast_in_dim3A_191 = arith.constant 17 : i32
    %broadcast_in_dim3A_192 = vector.broadcast %broadcast_in_dim3A_191 : i32 to vector<16xi32>
    %gather3A_193 = tpu.vector_load_idx %arg9[%add3A_105, %broadcast_in_dim3A_192] : memref<64x32xf32, #tpu.memory_space<vmem>>[vector<16xi32>, vector<16xi32>], vector<16xf32>,
    %mul3A_194 = arith.mulf %gather3A_193, %gather3A_57 : vector<16xf32>
    %add3A_195 = arith.addf %add3A_190, %mul3A_194 : vector<16xf32>
    %broadcast_in_dim3A_196 = arith.constant 18 : i32
    %broadcast_in_dim3A_197 = vector.broadcast %broadcast_in_dim3A_196 : i32 to vector<16xi32>
    %gather3A_198 = tpu.vector_load_idx %arg9[%add3A_105, %broadcast_in_dim3A_197] : memref<64x32xf32, #tpu.memory_space<vmem>>[vector<16xi32>, vector<16xi32>], vector<16xf32>,
    %mul3A_199 = arith.mulf %gather3A_198, %gather3A_60 : vector<16xf32>
    %add3A_200 = arith.addf %add3A_195, %mul3A_199 : vector<16xf32>
    %broadcast_in_dim3A_201 = arith.constant 19 : i32
    %broadcast_in_dim3A_202 = vector.broadcast %broadcast_in_dim3A_201 : i32 to vector<16xi32>
    %gather3A_203 = tpu.vector_load_idx %arg9[%add3A_105, %broadcast_in_dim3A_202] : memref<64x32xf32, #tpu.memory_space<vmem>>[vector<16xi32>, vector<16xi32>], vector<16xf32>,
    %mul3A_204 = arith.mulf %gather3A_203, %gather3A_63 : vector<16xf32>
    %add3A_205 = arith.addf %add3A_200, %mul3A_204 : vector<16xf32>
    %broadcast_in_dim3A_206 = arith.constant 20 : i32
    %broadcast_in_dim3A_207 = vector.broadcast %broadcast_in_dim3A_206 : i32 to vector<16xi32>
    %gather3A_208 = tpu.vector_load_idx %arg9[%add3A_105, %broadcast_in_dim3A_207] : memref<64x32xf32, #tpu.memory_space<vmem>>[vector<16xi32>, vector<16xi32>], vector<16xf32>,
    %mul3A_209 = arith.mulf %gather3A_208, %gather3A_66 : vector<16xf32>
    %add3A_210 = arith.addf %add3A_205, %mul3A_209 : vector<16xf32>
    %broadcast_in_dim3A_211 = arith.constant 21 : i32
    %broadcast_in_dim3A_212 = vector.broadcast %broadcast_in_dim3A_211 : i32 to vector<16xi32>
    %gather3A_213 = tpu.vector_load_idx %arg9[%add3A_105, %broadcast_in_dim3A_212] : memref<64x32xf32, #tpu.memory_space<vmem>>[vector<16xi32>, vector<16xi32>], vector<16xf32>,
    %mul3A_214 = arith.mulf %gather3A_213, %gather3A_69 : vector<16xf32>
    %add3A_215 = arith.addf %add3A_210, %mul3A_214 : vector<16xf32>
    %broadcast_in_dim3A_216 = arith.constant 22 : i32
    %broadcast_in_dim3A_217 = vector.broadcast %broadcast_in_dim3A_216 : i32 to vector<16xi32>
    %gather3A_218 = tpu.vector_load_idx %arg9[%add3A_105, %broadcast_in_dim3A_217] : memref<64x32xf32, #tpu.memory_space<vmem>>[vector<16xi32>, vector<16xi32>], vector<16xf32>,
    %mul3A_219 = arith.mulf %gather3A_218, %gather3A_72 : vector<16xf32>
    %add3A_220 = arith.addf %add3A_215, %mul3A_219 : vector<16xf32>
    %broadcast_in_dim3A_221 = arith.constant 23 : i32
    %broadcast_in_dim3A_222 = vector.broadcast %broadcast_in_dim3A_221 : i32 to vector<16xi32>
    %gather3A_223 = tpu.vector_load_idx %arg9[%add3A_105, %broadcast_in_dim3A_222] : memref<64x32xf32, #tpu.memory_space<vmem>>[vector<16xi32>, vector<16xi32>], vector<16xf32>,
    %mul3A_224 = arith.mulf %gather3A_223, %gather3A_75 : vector<16xf32>
    %add3A_225 = arith.addf %add3A_220, %mul3A_224 : vector<16xf32>
    %broadcast_in_dim3A_226 = arith.constant 24 : i32
    %broadcast_in_dim3A_227 = vector.broadcast %broadcast_in_dim3A_226 : i32 to vector<16xi32>
    %gather3A_228 = tpu.vector_load_idx %arg9[%add3A_105, %broadcast_in_dim3A_227] : memref<64x32xf32, #tpu.memory_space<vmem>>[vector<16xi32>, vector<16xi32>], vector<16xf32>,
    %mul3A_229 = arith.mulf %gather3A_228, %gather3A_78 : vector<16xf32>
    %add3A_230 = arith.addf %add3A_225, %mul3A_229 : vector<16xf32>
    %broadcast_in_dim3A_231 = arith.constant 25 : i32
    %broadcast_in_dim3A_232 = vector.broadcast %broadcast_in_dim3A_231 : i32 to vector<16xi32>
    %gather3A_233 = tpu.vector_load_idx %arg9[%add3A_105, %broadcast_in_dim3A_232] : memref<64x32xf32, #tpu.memory_space<vmem>>[vector<16xi32>, vector<16xi32>], vector<16xf32>,
    %mul3A_234 = arith.mulf %gather3A_233, %gather3A_81 : vector<16xf32>
    %add3A_235 = arith.addf %add3A_230, %mul3A_234 : vector<16xf32>
    %broadcast_in_dim3A_236 = arith.constant 26 : i32
    %broadcast_in_dim3A_237 = vector.broadcast %broadcast_in_dim3A_236 : i32 to vector<16xi32>
    %gather3A_238 = tpu.vector_load_idx %arg9[%add3A_105, %broadcast_in_dim3A_237] : memref<64x32xf32, #tpu.memory_space<vmem>>[vector<16xi32>, vector<16xi32>], vector<16xf32>,
    %mul3A_239 = arith.mulf %gather3A_238, %gather3A_84 : vector<16xf32>
    %add3A_240 = arith.addf %add3A_235, %mul3A_239 : vector<16xf32>
    %broadcast_in_dim3A_241 = arith.constant 27 : i32
    %broadcast_in_dim3A_242 = vector.broadcast %broadcast_in_dim3A_241 : i32 to vector<16xi32>
    %gather3A_243 = tpu.vector_load_idx %arg9[%add3A_105, %broadcast_in_dim3A_242] : memref<64x32xf32, #tpu.memory_space<vmem>>[vector<16xi32>, vector<16xi32>], vector<16xf32>,
    %mul3A_244 = arith.mulf %gather3A_243, %gather3A_87 : vector<16xf32>
    %add3A_245 = arith.addf %add3A_240, %mul3A_244 : vector<16xf32>
    %broadcast_in_dim3A_246 = arith.constant 28 : i32
    %broadcast_in_dim3A_247 = vector.broadcast %broadcast_in_dim3A_246 : i32 to vector<16xi32>
    %gather3A_248 = tpu.vector_load_idx %arg9[%add3A_105, %broadcast_in_dim3A_247] : memref<64x32xf32, #tpu.memory_space<vmem>>[vector<16xi32>, vector<16xi32>], vector<16xf32>,
    %mul3A_249 = arith.mulf %gather3A_248, %gather3A_90 : vector<16xf32>
    %add3A_250 = arith.addf %add3A_245, %mul3A_249 : vector<16xf32>
    %broadcast_in_dim3A_251 = arith.constant 29 : i32
    %broadcast_in_dim3A_252 = vector.broadcast %broadcast_in_dim3A_251 : i32 to vector<16xi32>
    %gather3A_253 = tpu.vector_load_idx %arg9[%add3A_105, %broadcast_in_dim3A_252] : memref<64x32xf32, #tpu.memory_space<vmem>>[vector<16xi32>, vector<16xi32>], vector<16xf32>,
    %mul3A_254 = arith.mulf %gather3A_253, %gather3A_93 : vector<16xf32>
    %add3A_255 = arith.addf %add3A_250, %mul3A_254 : vector<16xf32>
    %broadcast_in_dim3A_256 = arith.constant 30 : i32
    %broadcast_in_dim3A_257 = vector.broadcast %broadcast_in_dim3A_256 : i32 to vector<16xi32>
    %gather3A_258 = tpu.vector_load_idx %arg9[%add3A_105, %broadcast_in_dim3A_257] : memref<64x32xf32, #tpu.memory_space<vmem>>[vector<16xi32>, vector<16xi32>], vector<16xf32>,
    %mul3A_259 = arith.mulf %gather3A_258, %gather3A_96 : vector<16xf32>
    %add3A_260 = arith.addf %add3A_255, %mul3A_259 : vector<16xf32>
    %broadcast_in_dim3A_261 = arith.constant 31 : i32
    %broadcast_in_dim3A_262 = vector.broadcast %broadcast_in_dim3A_261 : i32 to vector<16xi32>
    %gather3A_263 = tpu.vector_load_idx %arg9[%add3A_105, %broadcast_in_dim3A_262] : memref<64x32xf32, #tpu.memory_space<vmem>>[vector<16xi32>, vector<16xi32>], vector<16xf32>,
    %mul3A_264 = arith.mulf %gather3A_263, %gather3A_99 : vector<16xf32>
    %add3A_265 = arith.addf %add3A_260, %mul3A_264 : vector<16xf32>
    %mul3A_266 = arith.constant 5.000000e-03 : f32
    %mul3A_267 = vector.broadcast %mul3A_266 : f32 to vector<16xf32>
    %mul3A_268 = arith.mulf %add3A_265, %mul3A_267 : vector<16xf32>
    %swap3A = arith.constant 0 : index
    %swap3A_269 = tpu.vector_load %arg11[%swap3A] {strides = array<i32>} : memref<64xf32, #tpu.memory_space<vmem>>, vector<16xf32>,
    tpu.vector_store %arg11[%swap3A], %mul3A_268 {strides = array<i32>} : memref<64xf32, #tpu.memory_space<vmem>>, vector<16xf32>,
    %add3A_270 = arith.constant 16 : i32
    %add3A_271 = vector.broadcast %add3A_270 : i32 to vector<16xi32>
    %add3A_272 = arith.addi %iota3A, %add3A_271 : vector<16xi32>
    %broadcast_in_dim3A_273 = arith.constant 0 : i32
    %broadcast_in_dim3A_274 = vector.broadcast %broadcast_in_dim3A_273 : i32 to vector<16xi32>
    %gather3A_275 = tpu.vector_load_idx %arg9[%add3A_272, %broadcast_in_dim3A_274] : memref<64x32xf32, #tpu.memory_space<vmem>>[vector<16xi32>, vector<16xi32>], vector<16xf32>,
    %mul3A_276 = arith.mulf %gather3A_275, %gather3A : vector<16xf32>
    %add3A_277 = arith.addf %gather3A_102, %mul3A_276 : vector<16xf32>
    %broadcast_in_dim3A_278 = arith.constant 1 : i32
    %broadcast_in_dim3A_279 = vector.broadcast %broadcast_in_dim3A_278 : i32 to vector<16xi32>
    %gather3A_280 = tpu.vector_load_idx %arg9[%add3A_272, %broadcast_in_dim3A_279] : memref<64x32xf32, #tpu.memory_space<vmem>>[vector<16xi32>, vector<16xi32>], vector<16xf32>,
    %mul3A_281 = arith.mulf %gather3A_280, %gather3A_9 : vector<16xf32>
    %add3A_282 = arith.addf %add3A_277, %mul3A_281 : vector<16xf32>
    %broadcast_in_dim3A_283 = arith.constant 2 : i32
    %broadcast_in_dim3A_284 = vector.broadcast %broadcast_in_dim3A_283 : i32 to vector<16xi32>
    %gather3A_285 = tpu.vector_load_idx %arg9[%add3A_272, %broadcast_in_dim3A_284] : memref<64x32xf32, #tpu.memory_space<vmem>>[vector<16xi32>, vector<16xi32>], vector<16xf32>,
    %mul3A_286 = arith.mulf %gather3A_285, %gather3A_12 : vector<16xf32>
    %add3A_287 = arith.addf %add3A_282, %mul3A_286 : vector<16xf32>
    %broadcast_in_dim3A_288 = arith.constant 3 : i32
    %broadcast_in_dim3A_289 = vector.broadcast %broadcast_in_dim3A_288 : i32 to vector<16xi32>
    %gather3A_290 = tpu.vector_load_idx %arg9[%add3A_272, %broadcast_in_dim3A_289] : memref<64x32xf32, #tpu.memory_space<vmem>>[vector<16xi32>, vector<16xi32>], vector<16xf32>,
    %mul3A_291 = arith.mulf %gather3A_290, %gather3A_15 : vector<16xf32>
    %add3A_292 = arith.addf %add3A_287, %mul3A_291 : vector<16xf32>
    %broadcast_in_dim3A_293 = arith.constant 4 : i32
    %broadcast_in_dim3A_294 = vector.broadcast %broadcast_in_dim3A_293 : i32 to vector<16xi32>
    %gather3A_295 = tpu.vector_load_idx %arg9[%add3A_272, %broadcast_in_dim3A_294] : memref<64x32xf32, #tpu.memory_space<vmem>>[vector<16xi32>, vector<16xi32>], vector<16xf32>,
    %mul3A_296 = arith.mulf %gather3A_295, %gather3A_18 : vector<16xf32>
    %add3A_297 = arith.addf %add3A_292, %mul3A_296 : vector<16xf32>
    %broadcast_in_dim3A_298 = arith.constant 5 : i32
    %broadcast_in_dim3A_299 = vector.broadcast %broadcast_in_dim3A_298 : i32 to vector<16xi32>
    %gather3A_300 = tpu.vector_load_idx %arg9[%add3A_272, %broadcast_in_dim3A_299] : memref<64x32xf32, #tpu.memory_space<vmem>>[vector<16xi32>, vector<16xi32>], vector<16xf32>,
    %mul3A_301 = arith.mulf %gather3A_300, %gather3A_21 : vector<16xf32>
    %add3A_302 = arith.addf %add3A_297, %mul3A_301 : vector<16xf32>
    %broadcast_in_dim3A_303 = arith.constant 6 : i32
    %broadcast_in_dim3A_304 = vector.broadcast %broadcast_in_dim3A_303 : i32 to vector<16xi32>
    %gather3A_305 = tpu.vector_load_idx %arg9[%add3A_272, %broadcast_in_dim3A_304] : memref<64x32xf32, #tpu.memory_space<vmem>>[vector<16xi32>, vector<16xi32>], vector<16xf32>,
    %mul3A_306 = arith.mulf %gather3A_305, %gather3A_24 : vector<16xf32>
    %add3A_307 = arith.addf %add3A_302, %mul3A_306 : vector<16xf32>
    %broadcast_in_dim3A_308 = arith.constant 7 : i32
    %broadcast_in_dim3A_309 = vector.broadcast %broadcast_in_dim3A_308 : i32 to vector<16xi32>
    %gather3A_310 = tpu.vector_load_idx %arg9[%add3A_272, %broadcast_in_dim3A_309] : memref<64x32xf32, #tpu.memory_space<vmem>>[vector<16xi32>, vector<16xi32>], vector<16xf32>,
    %mul3A_311 = arith.mulf %gather3A_310, %gather3A_27 : vector<16xf32>
    %add3A_312 = arith.addf %add3A_307, %mul3A_311 : vector<16xf32>
    %broadcast_in_dim3A_313 = arith.constant 8 : i32
    %broadcast_in_dim3A_314 = vector.broadcast %broadcast_in_dim3A_313 : i32 to vector<16xi32>
    %gather3A_315 = tpu.vector_load_idx %arg9[%add3A_272, %broadcast_in_dim3A_314] : memref<64x32xf32, #tpu.memory_space<vmem>>[vector<16xi32>, vector<16xi32>], vector<16xf32>,
    %mul3A_316 = arith.mulf %gather3A_315, %gather3A_30 : vector<16xf32>
    %add3A_317 = arith.addf %add3A_312, %mul3A_316 : vector<16xf32>
    %broadcast_in_dim3A_318 = arith.constant 9 : i32
    %broadcast_in_dim3A_319 = vector.broadcast %broadcast_in_dim3A_318 : i32 to vector<16xi32>
    %gather3A_320 = tpu.vector_load_idx %arg9[%add3A_272, %broadcast_in_dim3A_319] : memref<64x32xf32, #tpu.memory_space<vmem>>[vector<16xi32>, vector<16xi32>], vector<16xf32>,
    %mul3A_321 = arith.mulf %gather3A_320, %gather3A_33 : vector<16xf32>
    %add3A_322 = arith.addf %add3A_317, %mul3A_321 : vector<16xf32>
    %broadcast_in_dim3A_323 = arith.constant 10 : i32
    %broadcast_in_dim3A_324 = vector.broadcast %broadcast_in_dim3A_323 : i32 to vector<16xi32>
    %gather3A_325 = tpu.vector_load_idx %arg9[%add3A_272, %broadcast_in_dim3A_324] : memref<64x32xf32, #tpu.memory_space<vmem>>[vector<16xi32>, vector<16xi32>], vector<16xf32>,
    %mul3A_326 = arith.mulf %gather3A_325, %gather3A_36 : vector<16xf32>
    %add3A_327 = arith.addf %add3A_322, %mul3A_326 : vector<16xf32>
    %broadcast_in_dim3A_328 = arith.constant 11 : i32
    %broadcast_in_dim3A_329 = vector.broadcast %broadcast_in_dim3A_328 : i32 to vector<16xi32>
    %gather3A_330 = tpu.vector_load_idx %arg9[%add3A_272, %broadcast_in_dim3A_329] : memref<64x32xf32, #tpu.memory_space<vmem>>[vector<16xi32>, vector<16xi32>], vector<16xf32>,
    %mul3A_331 = arith.mulf %gather3A_330, %gather3A_39 : vector<16xf32>
    %add3A_332 = arith.addf %add3A_327, %mul3A_331 : vector<16xf32>
    %broadcast_in_dim3A_333 = arith.constant 12 : i32
    %broadcast_in_dim3A_334 = vector.broadcast %broadcast_in_dim3A_333 : i32 to vector<16xi32>
    %gather3A_335 = tpu.vector_load_idx %arg9[%add3A_272, %broadcast_in_dim3A_334] : memref<64x32xf32, #tpu.memory_space<vmem>>[vector<16xi32>, vector<16xi32>], vector<16xf32>,
    %mul3A_336 = arith.mulf %gather3A_335, %gather3A_42 : vector<16xf32>
    %add3A_337 = arith.addf %add3A_332, %mul3A_336 : vector<16xf32>
    %broadcast_in_dim3A_338 = arith.constant 13 : i32
    %broadcast_in_dim3A_339 = vector.broadcast %broadcast_in_dim3A_338 : i32 to vector<16xi32>
    %gather3A_340 = tpu.vector_load_idx %arg9[%add3A_272, %broadcast_in_dim3A_339] : memref<64x32xf32, #tpu.memory_space<vmem>>[vector<16xi32>, vector<16xi32>], vector<16xf32>,
    %mul3A_341 = arith.mulf %gather3A_340, %gather3A_45 : vector<16xf32>
    %add3A_342 = arith.addf %add3A_337, %mul3A_341 : vector<16xf32>
    %broadcast_in_dim3A_343 = arith.constant 14 : i32
    %broadcast_in_dim3A_344 = vector.broadcast %broadcast_in_dim3A_343 : i32 to vector<16xi32>
    %gather3A_345 = tpu.vector_load_idx %arg9[%add3A_272, %broadcast_in_dim3A_344] : memref<64x32xf32, #tpu.memory_space<vmem>>[vector<16xi32>, vector<16xi32>], vector<16xf32>,
    %mul3A_346 = arith.mulf %gather3A_345, %gather3A_48 : vector<16xf32>
    %add3A_347 = arith.addf %add3A_342, %mul3A_346 : vector<16xf32>
    %broadcast_in_dim3A_348 = arith.constant 15 : i32
    %broadcast_in_dim3A_349 = vector.broadcast %broadcast_in_dim3A_348 : i32 to vector<16xi32>
    %gather3A_350 = tpu.vector_load_idx %arg9[%add3A_272, %broadcast_in_dim3A_349] : memref<64x32xf32, #tpu.memory_space<vmem>>[vector<16xi32>, vector<16xi32>], vector<16xf32>,
    %mul3A_351 = arith.mulf %gather3A_350, %gather3A_51 : vector<16xf32>
    %add3A_352 = arith.addf %add3A_347, %mul3A_351 : vector<16xf32>
    %broadcast_in_dim3A_353 = arith.constant 16 : i32
    %broadcast_in_dim3A_354 = vector.broadcast %broadcast_in_dim3A_353 : i32 to vector<16xi32>
    %gather3A_355 = tpu.vector_load_idx %arg9[%add3A_272, %broadcast_in_dim3A_354] : memref<64x32xf32, #tpu.memory_space<vmem>>[vector<16xi32>, vector<16xi32>], vector<16xf32>,
    %mul3A_356 = arith.mulf %gather3A_355, %gather3A_54 : vector<16xf32>
    %add3A_357 = arith.addf %add3A_352, %mul3A_356 : vector<16xf32>
    %broadcast_in_dim3A_358 = arith.constant 17 : i32
    %broadcast_in_dim3A_359 = vector.broadcast %broadcast_in_dim3A_358 : i32 to vector<16xi32>
    %gather3A_360 = tpu.vector_load_idx %arg9[%add3A_272, %broadcast_in_dim3A_359] : memref<64x32xf32, #tpu.memory_space<vmem>>[vector<16xi32>, vector<16xi32>], vector<16xf32>,
    %mul3A_361 = arith.mulf %gather3A_360, %gather3A_57 : vector<16xf32>
    %add3A_362 = arith.addf %add3A_357, %mul3A_361 : vector<16xf32>
    %broadcast_in_dim3A_363 = arith.constant 18 : i32
    %broadcast_in_dim3A_364 = vector.broadcast %broadcast_in_dim3A_363 : i32 to vector<16xi32>
    %gather3A_365 = tpu.vector_load_idx %arg9[%add3A_272, %broadcast_in_dim3A_364] : memref<64x32xf32, #tpu.memory_space<vmem>>[vector<16xi32>, vector<16xi32>], vector<16xf32>,
    %mul3A_366 = arith.mulf %gather3A_365, %gather3A_60 : vector<16xf32>
    %add3A_367 = arith.addf %add3A_362, %mul3A_366 : vector<16xf32>
    %broadcast_in_dim3A_368 = arith.constant 19 : i32
    %broadcast_in_dim3A_369 = vector.broadcast %broadcast_in_dim3A_368 : i32 to vector<16xi32>
    %gather3A_370 = tpu.vector_load_idx %arg9[%add3A_272, %broadcast_in_dim3A_369] : memref<64x32xf32, #tpu.memory_space<vmem>>[vector<16xi32>, vector<16xi32>], vector<16xf32>,
    %mul3A_371 = arith.mulf %gather3A_370, %gather3A_63 : vector<16xf32>
    %add3A_372 = arith.addf %add3A_367, %mul3A_371 : vector<16xf32>
    %broadcast_in_dim3A_373 = arith.constant 20 : i32
    %broadcast_in_dim3A_374 = vector.broadcast %broadcast_in_dim3A_373 : i32 to vector<16xi32>
    %gather3A_375 = tpu.vector_load_idx %arg9[%add3A_272, %broadcast_in_dim3A_374] : memref<64x32xf32, #tpu.memory_space<vmem>>[vector<16xi32>, vector<16xi32>], vector<16xf32>,
    %mul3A_376 = arith.mulf %gather3A_375, %gather3A_66 : vector<16xf32>
    %add3A_377 = arith.addf %add3A_372, %mul3A_376 : vector<16xf32>
    %broadcast_in_dim3A_378 = arith.constant 21 : i32
    %broadcast_in_dim3A_379 = vector.broadcast %broadcast_in_dim3A_378 : i32 to vector<16xi32>
    %gather3A_380 = tpu.vector_load_idx %arg9[%add3A_272, %broadcast_in_dim3A_379] : memref<64x32xf32, #tpu.memory_space<vmem>>[vector<16xi32>, vector<16xi32>], vector<16xf32>,
    %mul3A_381 = arith.mulf %gather3A_380, %gather3A_69 : vector<16xf32>
    %add3A_382 = arith.addf %add3A_377, %mul3A_381 : vector<16xf32>
    %broadcast_in_dim3A_383 = arith.constant 22 : i32
    %broadcast_in_dim3A_384 = vector.broadcast %broadcast_in_dim3A_383 : i32 to vector<16xi32>
    %gather3A_385 = tpu.vector_load_idx %arg9[%add3A_272, %broadcast_in_dim3A_384] : memref<64x32xf32, #tpu.memory_space<vmem>>[vector<16xi32>, vector<16xi32>], vector<16xf32>,
    %mul3A_386 = arith.mulf %gather3A_385, %gather3A_72 : vector<16xf32>
    %add3A_387 = arith.addf %add3A_382, %mul3A_386 : vector<16xf32>
    %broadcast_in_dim3A_388 = arith.constant 23 : i32
    %broadcast_in_dim3A_389 = vector.broadcast %broadcast_in_dim3A_388 : i32 to vector<16xi32>
    %gather3A_390 = tpu.vector_load_idx %arg9[%add3A_272, %broadcast_in_dim3A_389] : memref<64x32xf32, #tpu.memory_space<vmem>>[vector<16xi32>, vector<16xi32>], vector<16xf32>,
    %mul3A_391 = arith.mulf %gather3A_390, %gather3A_75 : vector<16xf32>
    %add3A_392 = arith.addf %add3A_387, %mul3A_391 : vector<16xf32>
    %broadcast_in_dim3A_393 = arith.constant 24 : i32
    %broadcast_in_dim3A_394 = vector.broadcast %broadcast_in_dim3A_393 : i32 to vector<16xi32>
    %gather3A_395 = tpu.vector_load_idx %arg9[%add3A_272, %broadcast_in_dim3A_394] : memref<64x32xf32, #tpu.memory_space<vmem>>[vector<16xi32>, vector<16xi32>], vector<16xf32>,
    %mul3A_396 = arith.mulf %gather3A_395, %gather3A_78 : vector<16xf32>
    %add3A_397 = arith.addf %add3A_392, %mul3A_396 : vector<16xf32>
    %broadcast_in_dim3A_398 = arith.constant 25 : i32
    %broadcast_in_dim3A_399 = vector.broadcast %broadcast_in_dim3A_398 : i32 to vector<16xi32>
    %gather3A_400 = tpu.vector_load_idx %arg9[%add3A_272, %broadcast_in_dim3A_399] : memref<64x32xf32, #tpu.memory_space<vmem>>[vector<16xi32>, vector<16xi32>], vector<16xf32>,
    %mul3A_401 = arith.mulf %gather3A_400, %gather3A_81 : vector<16xf32>
    %add3A_402 = arith.addf %add3A_397, %mul3A_401 : vector<16xf32>
    %broadcast_in_dim3A_403 = arith.constant 26 : i32
    %broadcast_in_dim3A_404 = vector.broadcast %broadcast_in_dim3A_403 : i32 to vector<16xi32>
    %gather3A_405 = tpu.vector_load_idx %arg9[%add3A_272, %broadcast_in_dim3A_404] : memref<64x32xf32, #tpu.memory_space<vmem>>[vector<16xi32>, vector<16xi32>], vector<16xf32>,
    %mul3A_406 = arith.mulf %gather3A_405, %gather3A_84 : vector<16xf32>
    %add3A_407 = arith.addf %add3A_402, %mul3A_406 : vector<16xf32>
    %broadcast_in_dim3A_408 = arith.constant 27 : i32
    %broadcast_in_dim3A_409 = vector.broadcast %broadcast_in_dim3A_408 : i32 to vector<16xi32>
    %gather3A_410 = tpu.vector_load_idx %arg9[%add3A_272, %broadcast_in_dim3A_409] : memref<64x32xf32, #tpu.memory_space<vmem>>[vector<16xi32>, vector<16xi32>], vector<16xf32>,
    %mul3A_411 = arith.mulf %gather3A_410, %gather3A_87 : vector<16xf32>
    %add3A_412 = arith.addf %add3A_407, %mul3A_411 : vector<16xf32>
    %broadcast_in_dim3A_413 = arith.constant 28 : i32
    %broadcast_in_dim3A_414 = vector.broadcast %broadcast_in_dim3A_413 : i32 to vector<16xi32>
    %gather3A_415 = tpu.vector_load_idx %arg9[%add3A_272, %broadcast_in_dim3A_414] : memref<64x32xf32, #tpu.memory_space<vmem>>[vector<16xi32>, vector<16xi32>], vector<16xf32>,
    %mul3A_416 = arith.mulf %gather3A_415, %gather3A_90 : vector<16xf32>
    %add3A_417 = arith.addf %add3A_412, %mul3A_416 : vector<16xf32>
    %broadcast_in_dim3A_418 = arith.constant 29 : i32
    %broadcast_in_dim3A_419 = vector.broadcast %broadcast_in_dim3A_418 : i32 to vector<16xi32>
    %gather3A_420 = tpu.vector_load_idx %arg9[%add3A_272, %broadcast_in_dim3A_419] : memref<64x32xf32, #tpu.memory_space<vmem>>[vector<16xi32>, vector<16xi32>], vector<16xf32>,
    %mul3A_421 = arith.mulf %gather3A_420, %gather3A_93 : vector<16xf32>
    %add3A_422 = arith.addf %add3A_417, %mul3A_421 : vector<16xf32>
    %broadcast_in_dim3A_423 = arith.constant 30 : i32
    %broadcast_in_dim3A_424 = vector.broadcast %broadcast_in_dim3A_423 : i32 to vector<16xi32>
    %gather3A_425 = tpu.vector_load_idx %arg9[%add3A_272, %broadcast_in_dim3A_424] : memref<64x32xf32, #tpu.memory_space<vmem>>[vector<16xi32>, vector<16xi32>], vector<16xf32>,
    %mul3A_426 = arith.mulf %gather3A_425, %gather3A_96 : vector<16xf32>
    %add3A_427 = arith.addf %add3A_422, %mul3A_426 : vector<16xf32>
    %broadcast_in_dim3A_428 = arith.constant 31 : i32
    %broadcast_in_dim3A_429 = vector.broadcast %broadcast_in_dim3A_428 : i32 to vector<16xi32>
    %gather3A_430 = tpu.vector_load_idx %arg9[%add3A_272, %broadcast_in_dim3A_429] : memref<64x32xf32, #tpu.memory_space<vmem>>[vector<16xi32>, vector<16xi32>], vector<16xf32>,
    %mul3A_431 = arith.mulf %gather3A_430, %gather3A_99 : vector<16xf32>
    %add3A_432 = arith.addf %add3A_427, %mul3A_431 : vector<16xf32>
    %mul3A_433 = arith.constant 5.000000e-03 : f32
    %mul3A_434 = vector.broadcast %mul3A_433 : f32 to vector<16xf32>
    %mul3A_435 = arith.mulf %add3A_432, %mul3A_434 : vector<16xf32>
    %swap3A_436 = arith.constant 16 : index
    %swap3A_437 = tpu.vector_load %arg11[%swap3A_436] {strides = array<i32>} : memref<64xf32, #tpu.memory_space<vmem>>, vector<16xf32>,
    tpu.vector_store %arg11[%swap3A_436], %mul3A_435 {strides = array<i32>} : memref<64xf32, #tpu.memory_space<vmem>>, vector<16xf32>,
    %add3A_438 = arith.constant 32 : i32
    %add3A_439 = vector.broadcast %add3A_438 : i32 to vector<16xi32>
    %add3A_440 = arith.addi %iota3A, %add3A_439 : vector<16xi32>
    %broadcast_in_dim3A_441 = arith.constant 0 : i32
    %broadcast_in_dim3A_442 = vector.broadcast %broadcast_in_dim3A_441 : i32 to vector<16xi32>
    %gather3A_443 = tpu.vector_load_idx %arg9[%add3A_440, %broadcast_in_dim3A_442] : memref<64x32xf32, #tpu.memory_space<vmem>>[vector<16xi32>, vector<16xi32>], vector<16xf32>,
    %mul3A_444 = arith.mulf %gather3A_443, %gather3A : vector<16xf32>
    %add3A_445 = arith.addf %gather3A_102, %mul3A_444 : vector<16xf32>
    %broadcast_in_dim3A_446 = arith.constant 1 : i32
    %broadcast_in_dim3A_447 = vector.broadcast %broadcast_in_dim3A_446 : i32 to vector<16xi32>
    %gather3A_448 = tpu.vector_load_idx %arg9[%add3A_440, %broadcast_in_dim3A_447] : memref<64x32xf32, #tpu.memory_space<vmem>>[vector<16xi32>, vector<16xi32>], vector<16xf32>,
    %mul3A_449 = arith.mulf %gather3A_448, %gather3A_9 : vector<16xf32>
    %add3A_450 = arith.addf %add3A_445, %mul3A_449 : vector<16xf32>
    %broadcast_in_dim3A_451 = arith.constant 2 : i32
    %broadcast_in_dim3A_452 = vector.broadcast %broadcast_in_dim3A_451 : i32 to vector<16xi32>
    %gather3A_453 = tpu.vector_load_idx %arg9[%add3A_440, %broadcast_in_dim3A_452] : memref<64x32xf32, #tpu.memory_space<vmem>>[vector<16xi32>, vector<16xi32>], vector<16xf32>,
    %mul3A_454 = arith.mulf %gather3A_453, %gather3A_12 : vector<16xf32>
    %add3A_455 = arith.addf %add3A_450, %mul3A_454 : vector<16xf32>
    %broadcast_in_dim3A_456 = arith.constant 3 : i32
    %broadcast_in_dim3A_457 = vector.broadcast %broadcast_in_dim3A_456 : i32 to vector<16xi32>
    %gather3A_458 = tpu.vector_load_idx %arg9[%add3A_440, %broadcast_in_dim3A_457] : memref<64x32xf32, #tpu.memory_space<vmem>>[vector<16xi32>, vector<16xi32>], vector<16xf32>,
    %mul3A_459 = arith.mulf %gather3A_458, %gather3A_15 : vector<16xf32>
    %add3A_460 = arith.addf %add3A_455, %mul3A_459 : vector<16xf32>
    %broadcast_in_dim3A_461 = arith.constant 4 : i32
    %broadcast_in_dim3A_462 = vector.broadcast %broadcast_in_dim3A_461 : i32 to vector<16xi32>
    %gather3A_463 = tpu.vector_load_idx %arg9[%add3A_440, %broadcast_in_dim3A_462] : memref<64x32xf32, #tpu.memory_space<vmem>>[vector<16xi32>, vector<16xi32>], vector<16xf32>,
    %mul3A_464 = arith.mulf %gather3A_463, %gather3A_18 : vector<16xf32>
    %add3A_465 = arith.addf %add3A_460, %mul3A_464 : vector<16xf32>
    %broadcast_in_dim3A_466 = arith.constant 5 : i32
    %broadcast_in_dim3A_467 = vector.broadcast %broadcast_in_dim3A_466 : i32 to vector<16xi32>
    %gather3A_468 = tpu.vector_load_idx %arg9[%add3A_440, %broadcast_in_dim3A_467] : memref<64x32xf32, #tpu.memory_space<vmem>>[vector<16xi32>, vector<16xi32>], vector<16xf32>,
    %mul3A_469 = arith.mulf %gather3A_468, %gather3A_21 : vector<16xf32>
    %add3A_470 = arith.addf %add3A_465, %mul3A_469 : vector<16xf32>
    %broadcast_in_dim3A_471 = arith.constant 6 : i32
    %broadcast_in_dim3A_472 = vector.broadcast %broadcast_in_dim3A_471 : i32 to vector<16xi32>
    %gather3A_473 = tpu.vector_load_idx %arg9[%add3A_440, %broadcast_in_dim3A_472] : memref<64x32xf32, #tpu.memory_space<vmem>>[vector<16xi32>, vector<16xi32>], vector<16xf32>,
    %mul3A_474 = arith.mulf %gather3A_473, %gather3A_24 : vector<16xf32>
    %add3A_475 = arith.addf %add3A_470, %mul3A_474 : vector<16xf32>
    %broadcast_in_dim3A_476 = arith.constant 7 : i32
    %broadcast_in_dim3A_477 = vector.broadcast %broadcast_in_dim3A_476 : i32 to vector<16xi32>
    %gather3A_478 = tpu.vector_load_idx %arg9[%add3A_440, %broadcast_in_dim3A_477] : memref<64x32xf32, #tpu.memory_space<vmem>>[vector<16xi32>, vector<16xi32>], vector<16xf32>,
    %mul3A_479 = arith.mulf %gather3A_478, %gather3A_27 : vector<16xf32>
    %add3A_480 = arith.addf %add3A_475, %mul3A_479 : vector<16xf32>
    %broadcast_in_dim3A_481 = arith.constant 8 : i32
    %broadcast_in_dim3A_482 = vector.broadcast %broadcast_in_dim3A_481 : i32 to vector<16xi32>
    %gather3A_483 = tpu.vector_load_idx %arg9[%add3A_440, %broadcast_in_dim3A_482] : memref<64x32xf32, #tpu.memory_space<vmem>>[vector<16xi32>, vector<16xi32>], vector<16xf32>,
    %mul3A_484 = arith.mulf %gather3A_483, %gather3A_30 : vector<16xf32>
    %add3A_485 = arith.addf %add3A_480, %mul3A_484 : vector<16xf32>
    %broadcast_in_dim3A_486 = arith.constant 9 : i32
    %broadcast_in_dim3A_487 = vector.broadcast %broadcast_in_dim3A_486 : i32 to vector<16xi32>
    %gather3A_488 = tpu.vector_load_idx %arg9[%add3A_440, %broadcast_in_dim3A_487] : memref<64x32xf32, #tpu.memory_space<vmem>>[vector<16xi32>, vector<16xi32>], vector<16xf32>,
    %mul3A_489 = arith.mulf %gather3A_488, %gather3A_33 : vector<16xf32>
    %add3A_490 = arith.addf %add3A_485, %mul3A_489 : vector<16xf32>
    %broadcast_in_dim3A_491 = arith.constant 10 : i32
    %broadcast_in_dim3A_492 = vector.broadcast %broadcast_in_dim3A_491 : i32 to vector<16xi32>
    %gather3A_493 = tpu.vector_load_idx %arg9[%add3A_440, %broadcast_in_dim3A_492] : memref<64x32xf32, #tpu.memory_space<vmem>>[vector<16xi32>, vector<16xi32>], vector<16xf32>,
    %mul3A_494 = arith.mulf %gather3A_493, %gather3A_36 : vector<16xf32>
    %add3A_495 = arith.addf %add3A_490, %mul3A_494 : vector<16xf32>
    %broadcast_in_dim3A_496 = arith.constant 11 : i32
    %broadcast_in_dim3A_497 = vector.broadcast %broadcast_in_dim3A_496 : i32 to vector<16xi32>
    %gather3A_498 = tpu.vector_load_idx %arg9[%add3A_440, %broadcast_in_dim3A_497] : memref<64x32xf32, #tpu.memory_space<vmem>>[vector<16xi32>, vector<16xi32>], vector<16xf32>,
    %mul3A_499 = arith.mulf %gather3A_498, %gather3A_39 : vector<16xf32>
    %add3A_500 = arith.addf %add3A_495, %mul3A_499 : vector<16xf32>
    %broadcast_in_dim3A_501 = arith.constant 12 : i32
    %broadcast_in_dim3A_502 = vector.broadcast %broadcast_in_dim3A_501 : i32 to vector<16xi32>
    %gather3A_503 = tpu.vector_load_idx %arg9[%add3A_440, %broadcast_in_dim3A_502] : memref<64x32xf32, #tpu.memory_space<vmem>>[vector<16xi32>, vector<16xi32>], vector<16xf32>,
    %mul3A_504 = arith.mulf %gather3A_503, %gather3A_42 : vector<16xf32>
    %add3A_505 = arith.addf %add3A_500, %mul3A_504 : vector<16xf32>
    %broadcast_in_dim3A_506 = arith.constant 13 : i32
    %broadcast_in_dim3A_507 = vector.broadcast %broadcast_in_dim3A_506 : i32 to vector<16xi32>
    %gather3A_508 = tpu.vector_load_idx %arg9[%add3A_440, %broadcast_in_dim3A_507] : memref<64x32xf32, #tpu.memory_space<vmem>>[vector<16xi32>, vector<16xi32>], vector<16xf32>,
    %mul3A_509 = arith.mulf %gather3A_508, %gather3A_45 : vector<16xf32>
    %add3A_510 = arith.addf %add3A_505, %mul3A_509 : vector<16xf32>
    %broadcast_in_dim3A_511 = arith.constant 14 : i32
    %broadcast_in_dim3A_512 = vector.broadcast %broadcast_in_dim3A_511 : i32 to vector<16xi32>
    %gather3A_513 = tpu.vector_load_idx %arg9[%add3A_440, %broadcast_in_dim3A_512] : memref<64x32xf32, #tpu.memory_space<vmem>>[vector<16xi32>, vector<16xi32>], vector<16xf32>,
    %mul3A_514 = arith.mulf %gather3A_513, %gather3A_48 : vector<16xf32>
    %add3A_515 = arith.addf %add3A_510, %mul3A_514 : vector<16xf32>
    %broadcast_in_dim3A_516 = arith.constant 15 : i32
    %broadcast_in_dim3A_517 = vector.broadcast %broadcast_in_dim3A_516 : i32 to vector<16xi32>
    %gather3A_518 = tpu.vector_load_idx %arg9[%add3A_440, %broadcast_in_dim3A_517] : memref<64x32xf32, #tpu.memory_space<vmem>>[vector<16xi32>, vector<16xi32>], vector<16xf32>,
    %mul3A_519 = arith.mulf %gather3A_518, %gather3A_51 : vector<16xf32>
    %add3A_520 = arith.addf %add3A_515, %mul3A_519 : vector<16xf32>
    %broadcast_in_dim3A_521 = arith.constant 16 : i32
    %broadcast_in_dim3A_522 = vector.broadcast %broadcast_in_dim3A_521 : i32 to vector<16xi32>
    %gather3A_523 = tpu.vector_load_idx %arg9[%add3A_440, %broadcast_in_dim3A_522] : memref<64x32xf32, #tpu.memory_space<vmem>>[vector<16xi32>, vector<16xi32>], vector<16xf32>,
    %mul3A_524 = arith.mulf %gather3A_523, %gather3A_54 : vector<16xf32>
    %add3A_525 = arith.addf %add3A_520, %mul3A_524 : vector<16xf32>
    %broadcast_in_dim3A_526 = arith.constant 17 : i32
    %broadcast_in_dim3A_527 = vector.broadcast %broadcast_in_dim3A_526 : i32 to vector<16xi32>
    %gather3A_528 = tpu.vector_load_idx %arg9[%add3A_440, %broadcast_in_dim3A_527] : memref<64x32xf32, #tpu.memory_space<vmem>>[vector<16xi32>, vector<16xi32>], vector<16xf32>,
    %mul3A_529 = arith.mulf %gather3A_528, %gather3A_57 : vector<16xf32>
    %add3A_530 = arith.addf %add3A_525, %mul3A_529 : vector<16xf32>
    %broadcast_in_dim3A_531 = arith.constant 18 : i32
    %broadcast_in_dim3A_532 = vector.broadcast %broadcast_in_dim3A_531 : i32 to vector<16xi32>
    %gather3A_533 = tpu.vector_load_idx %arg9[%add3A_440, %broadcast_in_dim3A_532] : memref<64x32xf32, #tpu.memory_space<vmem>>[vector<16xi32>, vector<16xi32>], vector<16xf32>,
    %mul3A_534 = arith.mulf %gather3A_533, %gather3A_60 : vector<16xf32>
    %add3A_535 = arith.addf %add3A_530, %mul3A_534 : vector<16xf32>
    %broadcast_in_dim3A_536 = arith.constant 19 : i32
    %broadcast_in_dim3A_537 = vector.broadcast %broadcast_in_dim3A_536 : i32 to vector<16xi32>
    %gather3A_538 = tpu.vector_load_idx %arg9[%add3A_440, %broadcast_in_dim3A_537] : memref<64x32xf32, #tpu.memory_space<vmem>>[vector<16xi32>, vector<16xi32>], vector<16xf32>,
    %mul3A_539 = arith.mulf %gather3A_538, %gather3A_63 : vector<16xf32>
    %add3A_540 = arith.addf %add3A_535, %mul3A_539 : vector<16xf32>
    %broadcast_in_dim3A_541 = arith.constant 20 : i32
    %broadcast_in_dim3A_542 = vector.broadcast %broadcast_in_dim3A_541 : i32 to vector<16xi32>
    %gather3A_543 = tpu.vector_load_idx %arg9[%add3A_440, %broadcast_in_dim3A_542] : memref<64x32xf32, #tpu.memory_space<vmem>>[vector<16xi32>, vector<16xi32>], vector<16xf32>,
    %mul3A_544 = arith.mulf %gather3A_543, %gather3A_66 : vector<16xf32>
    %add3A_545 = arith.addf %add3A_540, %mul3A_544 : vector<16xf32>
    %broadcast_in_dim3A_546 = arith.constant 21 : i32
    %broadcast_in_dim3A_547 = vector.broadcast %broadcast_in_dim3A_546 : i32 to vector<16xi32>
    %gather3A_548 = tpu.vector_load_idx %arg9[%add3A_440, %broadcast_in_dim3A_547] : memref<64x32xf32, #tpu.memory_space<vmem>>[vector<16xi32>, vector<16xi32>], vector<16xf32>,
    %mul3A_549 = arith.mulf %gather3A_548, %gather3A_69 : vector<16xf32>
    %add3A_550 = arith.addf %add3A_545, %mul3A_549 : vector<16xf32>
    %broadcast_in_dim3A_551 = arith.constant 22 : i32
    %broadcast_in_dim3A_552 = vector.broadcast %broadcast_in_dim3A_551 : i32 to vector<16xi32>
    %gather3A_553 = tpu.vector_load_idx %arg9[%add3A_440, %broadcast_in_dim3A_552] : memref<64x32xf32, #tpu.memory_space<vmem>>[vector<16xi32>, vector<16xi32>], vector<16xf32>,
    %mul3A_554 = arith.mulf %gather3A_553, %gather3A_72 : vector<16xf32>
    %add3A_555 = arith.addf %add3A_550, %mul3A_554 : vector<16xf32>
    %broadcast_in_dim3A_556 = arith.constant 23 : i32
    %broadcast_in_dim3A_557 = vector.broadcast %broadcast_in_dim3A_556 : i32 to vector<16xi32>
    %gather3A_558 = tpu.vector_load_idx %arg9[%add3A_440, %broadcast_in_dim3A_557] : memref<64x32xf32, #tpu.memory_space<vmem>>[vector<16xi32>, vector<16xi32>], vector<16xf32>,
    %mul3A_559 = arith.mulf %gather3A_558, %gather3A_75 : vector<16xf32>
    %add3A_560 = arith.addf %add3A_555, %mul3A_559 : vector<16xf32>
    %broadcast_in_dim3A_561 = arith.constant 24 : i32
    %broadcast_in_dim3A_562 = vector.broadcast %broadcast_in_dim3A_561 : i32 to vector<16xi32>
    %gather3A_563 = tpu.vector_load_idx %arg9[%add3A_440, %broadcast_in_dim3A_562] : memref<64x32xf32, #tpu.memory_space<vmem>>[vector<16xi32>, vector<16xi32>], vector<16xf32>,
    %mul3A_564 = arith.mulf %gather3A_563, %gather3A_78 : vector<16xf32>
    %add3A_565 = arith.addf %add3A_560, %mul3A_564 : vector<16xf32>
    %broadcast_in_dim3A_566 = arith.constant 25 : i32
    %broadcast_in_dim3A_567 = vector.broadcast %broadcast_in_dim3A_566 : i32 to vector<16xi32>
    %gather3A_568 = tpu.vector_load_idx %arg9[%add3A_440, %broadcast_in_dim3A_567] : memref<64x32xf32, #tpu.memory_space<vmem>>[vector<16xi32>, vector<16xi32>], vector<16xf32>,
    %mul3A_569 = arith.mulf %gather3A_568, %gather3A_81 : vector<16xf32>
    %add3A_570 = arith.addf %add3A_565, %mul3A_569 : vector<16xf32>
    %broadcast_in_dim3A_571 = arith.constant 26 : i32
    %broadcast_in_dim3A_572 = vector.broadcast %broadcast_in_dim3A_571 : i32 to vector<16xi32>
    %gather3A_573 = tpu.vector_load_idx %arg9[%add3A_440, %broadcast_in_dim3A_572] : memref<64x32xf32, #tpu.memory_space<vmem>>[vector<16xi32>, vector<16xi32>], vector<16xf32>,
    %mul3A_574 = arith.mulf %gather3A_573, %gather3A_84 : vector<16xf32>
    %add3A_575 = arith.addf %add3A_570, %mul3A_574 : vector<16xf32>
    %broadcast_in_dim3A_576 = arith.constant 27 : i32
    %broadcast_in_dim3A_577 = vector.broadcast %broadcast_in_dim3A_576 : i32 to vector<16xi32>
    %gather3A_578 = tpu.vector_load_idx %arg9[%add3A_440, %broadcast_in_dim3A_577] : memref<64x32xf32, #tpu.memory_space<vmem>>[vector<16xi32>, vector<16xi32>], vector<16xf32>,
    %mul3A_579 = arith.mulf %gather3A_578, %gather3A_87 : vector<16xf32>
    %add3A_580 = arith.addf %add3A_575, %mul3A_579 : vector<16xf32>
    %broadcast_in_dim3A_581 = arith.constant 28 : i32
    %broadcast_in_dim3A_582 = vector.broadcast %broadcast_in_dim3A_581 : i32 to vector<16xi32>
    %gather3A_583 = tpu.vector_load_idx %arg9[%add3A_440, %broadcast_in_dim3A_582] : memref<64x32xf32, #tpu.memory_space<vmem>>[vector<16xi32>, vector<16xi32>], vector<16xf32>,
    %mul3A_584 = arith.mulf %gather3A_583, %gather3A_90 : vector<16xf32>
    %add3A_585 = arith.addf %add3A_580, %mul3A_584 : vector<16xf32>
    %broadcast_in_dim3A_586 = arith.constant 29 : i32
    %broadcast_in_dim3A_587 = vector.broadcast %broadcast_in_dim3A_586 : i32 to vector<16xi32>
    %gather3A_588 = tpu.vector_load_idx %arg9[%add3A_440, %broadcast_in_dim3A_587] : memref<64x32xf32, #tpu.memory_space<vmem>>[vector<16xi32>, vector<16xi32>], vector<16xf32>,
    %mul3A_589 = arith.mulf %gather3A_588, %gather3A_93 : vector<16xf32>
    %add3A_590 = arith.addf %add3A_585, %mul3A_589 : vector<16xf32>
    %broadcast_in_dim3A_591 = arith.constant 30 : i32
    %broadcast_in_dim3A_592 = vector.broadcast %broadcast_in_dim3A_591 : i32 to vector<16xi32>
    %gather3A_593 = tpu.vector_load_idx %arg9[%add3A_440, %broadcast_in_dim3A_592] : memref<64x32xf32, #tpu.memory_space<vmem>>[vector<16xi32>, vector<16xi32>], vector<16xf32>,
    %mul3A_594 = arith.mulf %gather3A_593, %gather3A_96 : vector<16xf32>
    %add3A_595 = arith.addf %add3A_590, %mul3A_594 : vector<16xf32>
    %broadcast_in_dim3A_596 = arith.constant 31 : i32
    %broadcast_in_dim3A_597 = vector.broadcast %broadcast_in_dim3A_596 : i32 to vector<16xi32>
    %gather3A_598 = tpu.vector_load_idx %arg9[%add3A_440, %broadcast_in_dim3A_597] : memref<64x32xf32, #tpu.memory_space<vmem>>[vector<16xi32>, vector<16xi32>], vector<16xf32>,
    %mul3A_599 = arith.mulf %gather3A_598, %gather3A_99 : vector<16xf32>
    %add3A_600 = arith.addf %add3A_595, %mul3A_599 : vector<16xf32>
    %mul3A_601 = arith.constant 5.000000e-03 : f32
    %mul3A_602 = vector.broadcast %mul3A_601 : f32 to vector<16xf32>
    %mul3A_603 = arith.mulf %add3A_600, %mul3A_602 : vector<16xf32>
    %swap3A_604 = arith.constant 32 : index
    %swap3A_605 = tpu.vector_load %arg11[%swap3A_604] {strides = array<i32>} : memref<64xf32, #tpu.memory_space<vmem>>, vector<16xf32>,
    tpu.vector_store %arg11[%swap3A_604], %mul3A_603 {strides = array<i32>} : memref<64xf32, #tpu.memory_space<vmem>>, vector<16xf32>,
    %add3A_606 = arith.constant 48 : i32
    %add3A_607 = vector.broadcast %add3A_606 : i32 to vector<16xi32>
    %add3A_608 = arith.addi %iota3A, %add3A_607 : vector<16xi32>
    %broadcast_in_dim3A_609 = arith.constant 0 : i32
    %broadcast_in_dim3A_610 = vector.broadcast %broadcast_in_dim3A_609 : i32 to vector<16xi32>
    %gather3A_611 = tpu.vector_load_idx %arg9[%add3A_608, %broadcast_in_dim3A_610] : memref<64x32xf32, #tpu.memory_space<vmem>>[vector<16xi32>, vector<16xi32>], vector<16xf32>,
    %mul3A_612 = arith.mulf %gather3A_611, %gather3A : vector<16xf32>
    %add3A_613 = arith.addf %gather3A_102, %mul3A_612 : vector<16xf32>
    %broadcast_in_dim3A_614 = arith.constant 1 : i32
    %broadcast_in_dim3A_615 = vector.broadcast %broadcast_in_dim3A_614 : i32 to vector<16xi32>
    %gather3A_616 = tpu.vector_load_idx %arg9[%add3A_608, %broadcast_in_dim3A_615] : memref<64x32xf32, #tpu.memory_space<vmem>>[vector<16xi32>, vector<16xi32>], vector<16xf32>,
    %mul3A_617 = arith.mulf %gather3A_616, %gather3A_9 : vector<16xf32>
    %add3A_618 = arith.addf %add3A_613, %mul3A_617 : vector<16xf32>
    %broadcast_in_dim3A_619 = arith.constant 2 : i32
    %broadcast_in_dim3A_620 = vector.broadcast %broadcast_in_dim3A_619 : i32 to vector<16xi32>
    %gather3A_621 = tpu.vector_load_idx %arg9[%add3A_608, %broadcast_in_dim3A_620] : memref<64x32xf32, #tpu.memory_space<vmem>>[vector<16xi32>, vector<16xi32>], vector<16xf32>,
    %mul3A_622 = arith.mulf %gather3A_621, %gather3A_12 : vector<16xf32>
    %add3A_623 = arith.addf %add3A_618, %mul3A_622 : vector<16xf32>
    %broadcast_in_dim3A_624 = arith.constant 3 : i32
    %broadcast_in_dim3A_625 = vector.broadcast %broadcast_in_dim3A_624 : i32 to vector<16xi32>
    %gather3A_626 = tpu.vector_load_idx %arg9[%add3A_608, %broadcast_in_dim3A_625] : memref<64x32xf32, #tpu.memory_space<vmem>>[vector<16xi32>, vector<16xi32>], vector<16xf32>,
    %mul3A_627 = arith.mulf %gather3A_626, %gather3A_15 : vector<16xf32>
    %add3A_628 = arith.addf %add3A_623, %mul3A_627 : vector<16xf32>
    %broadcast_in_dim3A_629 = arith.constant 4 : i32
    %broadcast_in_dim3A_630 = vector.broadcast %broadcast_in_dim3A_629 : i32 to vector<16xi32>
    %gather3A_631 = tpu.vector_load_idx %arg9[%add3A_608, %broadcast_in_dim3A_630] : memref<64x32xf32, #tpu.memory_space<vmem>>[vector<16xi32>, vector<16xi32>], vector<16xf32>,
    %mul3A_632 = arith.mulf %gather3A_631, %gather3A_18 : vector<16xf32>
    %add3A_633 = arith.addf %add3A_628, %mul3A_632 : vector<16xf32>
    %broadcast_in_dim3A_634 = arith.constant 5 : i32
    %broadcast_in_dim3A_635 = vector.broadcast %broadcast_in_dim3A_634 : i32 to vector<16xi32>
    %gather3A_636 = tpu.vector_load_idx %arg9[%add3A_608, %broadcast_in_dim3A_635] : memref<64x32xf32, #tpu.memory_space<vmem>>[vector<16xi32>, vector<16xi32>], vector<16xf32>,
    %mul3A_637 = arith.mulf %gather3A_636, %gather3A_21 : vector<16xf32>
    %add3A_638 = arith.addf %add3A_633, %mul3A_637 : vector<16xf32>
    %broadcast_in_dim3A_639 = arith.constant 6 : i32
    %broadcast_in_dim3A_640 = vector.broadcast %broadcast_in_dim3A_639 : i32 to vector<16xi32>
    %gather3A_641 = tpu.vector_load_idx %arg9[%add3A_608, %broadcast_in_dim3A_640] : memref<64x32xf32, #tpu.memory_space<vmem>>[vector<16xi32>, vector<16xi32>], vector<16xf32>,
    %mul3A_642 = arith.mulf %gather3A_641, %gather3A_24 : vector<16xf32>
    %add3A_643 = arith.addf %add3A_638, %mul3A_642 : vector<16xf32>
    %broadcast_in_dim3A_644 = arith.constant 7 : i32
    %broadcast_in_dim3A_645 = vector.broadcast %broadcast_in_dim3A_644 : i32 to vector<16xi32>
    %gather3A_646 = tpu.vector_load_idx %arg9[%add3A_608, %broadcast_in_dim3A_645] : memref<64x32xf32, #tpu.memory_space<vmem>>[vector<16xi32>, vector<16xi32>], vector<16xf32>,
    %mul3A_647 = arith.mulf %gather3A_646, %gather3A_27 : vector<16xf32>
    %add3A_648 = arith.addf %add3A_643, %mul3A_647 : vector<16xf32>
    %broadcast_in_dim3A_649 = arith.constant 8 : i32
    %broadcast_in_dim3A_650 = vector.broadcast %broadcast_in_dim3A_649 : i32 to vector<16xi32>
    %gather3A_651 = tpu.vector_load_idx %arg9[%add3A_608, %broadcast_in_dim3A_650] : memref<64x32xf32, #tpu.memory_space<vmem>>[vector<16xi32>, vector<16xi32>], vector<16xf32>,
    %mul3A_652 = arith.mulf %gather3A_651, %gather3A_30 : vector<16xf32>
    %add3A_653 = arith.addf %add3A_648, %mul3A_652 : vector<16xf32>
    %broadcast_in_dim3A_654 = arith.constant 9 : i32
    %broadcast_in_dim3A_655 = vector.broadcast %broadcast_in_dim3A_654 : i32 to vector<16xi32>
    %gather3A_656 = tpu.vector_load_idx %arg9[%add3A_608, %broadcast_in_dim3A_655] : memref<64x32xf32, #tpu.memory_space<vmem>>[vector<16xi32>, vector<16xi32>], vector<16xf32>,
    %mul3A_657 = arith.mulf %gather3A_656, %gather3A_33 : vector<16xf32>
    %add3A_658 = arith.addf %add3A_653, %mul3A_657 : vector<16xf32>
    %broadcast_in_dim3A_659 = arith.constant 10 : i32
    %broadcast_in_dim3A_660 = vector.broadcast %broadcast_in_dim3A_659 : i32 to vector<16xi32>
    %gather3A_661 = tpu.vector_load_idx %arg9[%add3A_608, %broadcast_in_dim3A_660] : memref<64x32xf32, #tpu.memory_space<vmem>>[vector<16xi32>, vector<16xi32>], vector<16xf32>,
    %mul3A_662 = arith.mulf %gather3A_661, %gather3A_36 : vector<16xf32>
    %add3A_663 = arith.addf %add3A_658, %mul3A_662 : vector<16xf32>
    %broadcast_in_dim3A_664 = arith.constant 11 : i32
    %broadcast_in_dim3A_665 = vector.broadcast %broadcast_in_dim3A_664 : i32 to vector<16xi32>
    %gather3A_666 = tpu.vector_load_idx %arg9[%add3A_608, %broadcast_in_dim3A_665] : memref<64x32xf32, #tpu.memory_space<vmem>>[vector<16xi32>, vector<16xi32>], vector<16xf32>,
    %mul3A_667 = arith.mulf %gather3A_666, %gather3A_39 : vector<16xf32>
    %add3A_668 = arith.addf %add3A_663, %mul3A_667 : vector<16xf32>
    %broadcast_in_dim3A_669 = arith.constant 12 : i32
    %broadcast_in_dim3A_670 = vector.broadcast %broadcast_in_dim3A_669 : i32 to vector<16xi32>
    %gather3A_671 = tpu.vector_load_idx %arg9[%add3A_608, %broadcast_in_dim3A_670] : memref<64x32xf32, #tpu.memory_space<vmem>>[vector<16xi32>, vector<16xi32>], vector<16xf32>,
    %mul3A_672 = arith.mulf %gather3A_671, %gather3A_42 : vector<16xf32>
    %add3A_673 = arith.addf %add3A_668, %mul3A_672 : vector<16xf32>
    %broadcast_in_dim3A_674 = arith.constant 13 : i32
    %broadcast_in_dim3A_675 = vector.broadcast %broadcast_in_dim3A_674 : i32 to vector<16xi32>
    %gather3A_676 = tpu.vector_load_idx %arg9[%add3A_608, %broadcast_in_dim3A_675] : memref<64x32xf32, #tpu.memory_space<vmem>>[vector<16xi32>, vector<16xi32>], vector<16xf32>,
    %mul3A_677 = arith.mulf %gather3A_676, %gather3A_45 : vector<16xf32>
    %add3A_678 = arith.addf %add3A_673, %mul3A_677 : vector<16xf32>
    %broadcast_in_dim3A_679 = arith.constant 14 : i32
    %broadcast_in_dim3A_680 = vector.broadcast %broadcast_in_dim3A_679 : i32 to vector<16xi32>
    %gather3A_681 = tpu.vector_load_idx %arg9[%add3A_608, %broadcast_in_dim3A_680] : memref<64x32xf32, #tpu.memory_space<vmem>>[vector<16xi32>, vector<16xi32>], vector<16xf32>,
    %mul3A_682 = arith.mulf %gather3A_681, %gather3A_48 : vector<16xf32>
    %add3A_683 = arith.addf %add3A_678, %mul3A_682 : vector<16xf32>
    %broadcast_in_dim3A_684 = arith.constant 15 : i32
    %broadcast_in_dim3A_685 = vector.broadcast %broadcast_in_dim3A_684 : i32 to vector<16xi32>
    %gather3A_686 = tpu.vector_load_idx %arg9[%add3A_608, %broadcast_in_dim3A_685] : memref<64x32xf32, #tpu.memory_space<vmem>>[vector<16xi32>, vector<16xi32>], vector<16xf32>,
    %mul3A_687 = arith.mulf %gather3A_686, %gather3A_51 : vector<16xf32>
    %add3A_688 = arith.addf %add3A_683, %mul3A_687 : vector<16xf32>
    %broadcast_in_dim3A_689 = arith.constant 16 : i32
    %broadcast_in_dim3A_690 = vector.broadcast %broadcast_in_dim3A_689 : i32 to vector<16xi32>
    %gather3A_691 = tpu.vector_load_idx %arg9[%add3A_608, %broadcast_in_dim3A_690] : memref<64x32xf32, #tpu.memory_space<vmem>>[vector<16xi32>, vector<16xi32>], vector<16xf32>,
    %mul3A_692 = arith.mulf %gather3A_691, %gather3A_54 : vector<16xf32>
    %add3A_693 = arith.addf %add3A_688, %mul3A_692 : vector<16xf32>
    %broadcast_in_dim3A_694 = arith.constant 17 : i32
    %broadcast_in_dim3A_695 = vector.broadcast %broadcast_in_dim3A_694 : i32 to vector<16xi32>
    %gather3A_696 = tpu.vector_load_idx %arg9[%add3A_608, %broadcast_in_dim3A_695] : memref<64x32xf32, #tpu.memory_space<vmem>>[vector<16xi32>, vector<16xi32>], vector<16xf32>,
    %mul3A_697 = arith.mulf %gather3A_696, %gather3A_57 : vector<16xf32>
    %add3A_698 = arith.addf %add3A_693, %mul3A_697 : vector<16xf32>
    %broadcast_in_dim3A_699 = arith.constant 18 : i32
    %broadcast_in_dim3A_700 = vector.broadcast %broadcast_in_dim3A_699 : i32 to vector<16xi32>
    %gather3A_701 = tpu.vector_load_idx %arg9[%add3A_608, %broadcast_in_dim3A_700] : memref<64x32xf32, #tpu.memory_space<vmem>>[vector<16xi32>, vector<16xi32>], vector<16xf32>,
    %mul3A_702 = arith.mulf %gather3A_701, %gather3A_60 : vector<16xf32>
    %add3A_703 = arith.addf %add3A_698, %mul3A_702 : vector<16xf32>
    %broadcast_in_dim3A_704 = arith.constant 19 : i32
    %broadcast_in_dim3A_705 = vector.broadcast %broadcast_in_dim3A_704 : i32 to vector<16xi32>
    %gather3A_706 = tpu.vector_load_idx %arg9[%add3A_608, %broadcast_in_dim3A_705] : memref<64x32xf32, #tpu.memory_space<vmem>>[vector<16xi32>, vector<16xi32>], vector<16xf32>,
    %mul3A_707 = arith.mulf %gather3A_706, %gather3A_63 : vector<16xf32>
    %add3A_708 = arith.addf %add3A_703, %mul3A_707 : vector<16xf32>
    %broadcast_in_dim3A_709 = arith.constant 20 : i32
    %broadcast_in_dim3A_710 = vector.broadcast %broadcast_in_dim3A_709 : i32 to vector<16xi32>
    %gather3A_711 = tpu.vector_load_idx %arg9[%add3A_608, %broadcast_in_dim3A_710] : memref<64x32xf32, #tpu.memory_space<vmem>>[vector<16xi32>, vector<16xi32>], vector<16xf32>,
    %mul3A_712 = arith.mulf %gather3A_711, %gather3A_66 : vector<16xf32>
    %add3A_713 = arith.addf %add3A_708, %mul3A_712 : vector<16xf32>
    %broadcast_in_dim3A_714 = arith.constant 21 : i32
    %broadcast_in_dim3A_715 = vector.broadcast %broadcast_in_dim3A_714 : i32 to vector<16xi32>
    %gather3A_716 = tpu.vector_load_idx %arg9[%add3A_608, %broadcast_in_dim3A_715] : memref<64x32xf32, #tpu.memory_space<vmem>>[vector<16xi32>, vector<16xi32>], vector<16xf32>,
    %mul3A_717 = arith.mulf %gather3A_716, %gather3A_69 : vector<16xf32>
    %add3A_718 = arith.addf %add3A_713, %mul3A_717 : vector<16xf32>
    %broadcast_in_dim3A_719 = arith.constant 22 : i32
    %broadcast_in_dim3A_720 = vector.broadcast %broadcast_in_dim3A_719 : i32 to vector<16xi32>
    %gather3A_721 = tpu.vector_load_idx %arg9[%add3A_608, %broadcast_in_dim3A_720] : memref<64x32xf32, #tpu.memory_space<vmem>>[vector<16xi32>, vector<16xi32>], vector<16xf32>,
    %mul3A_722 = arith.mulf %gather3A_721, %gather3A_72 : vector<16xf32>
    %add3A_723 = arith.addf %add3A_718, %mul3A_722 : vector<16xf32>
    %broadcast_in_dim3A_724 = arith.constant 23 : i32
    %broadcast_in_dim3A_725 = vector.broadcast %broadcast_in_dim3A_724 : i32 to vector<16xi32>
    %gather3A_726 = tpu.vector_load_idx %arg9[%add3A_608, %broadcast_in_dim3A_725] : memref<64x32xf32, #tpu.memory_space<vmem>>[vector<16xi32>, vector<16xi32>], vector<16xf32>,
    %mul3A_727 = arith.mulf %gather3A_726, %gather3A_75 : vector<16xf32>
    %add3A_728 = arith.addf %add3A_723, %mul3A_727 : vector<16xf32>
    %broadcast_in_dim3A_729 = arith.constant 24 : i32
    %broadcast_in_dim3A_730 = vector.broadcast %broadcast_in_dim3A_729 : i32 to vector<16xi32>
    %gather3A_731 = tpu.vector_load_idx %arg9[%add3A_608, %broadcast_in_dim3A_730] : memref<64x32xf32, #tpu.memory_space<vmem>>[vector<16xi32>, vector<16xi32>], vector<16xf32>,
    %mul3A_732 = arith.mulf %gather3A_731, %gather3A_78 : vector<16xf32>
    %add3A_733 = arith.addf %add3A_728, %mul3A_732 : vector<16xf32>
    %broadcast_in_dim3A_734 = arith.constant 25 : i32
    %broadcast_in_dim3A_735 = vector.broadcast %broadcast_in_dim3A_734 : i32 to vector<16xi32>
    %gather3A_736 = tpu.vector_load_idx %arg9[%add3A_608, %broadcast_in_dim3A_735] : memref<64x32xf32, #tpu.memory_space<vmem>>[vector<16xi32>, vector<16xi32>], vector<16xf32>,
    %mul3A_737 = arith.mulf %gather3A_736, %gather3A_81 : vector<16xf32>
    %add3A_738 = arith.addf %add3A_733, %mul3A_737 : vector<16xf32>
    %broadcast_in_dim3A_739 = arith.constant 26 : i32
    %broadcast_in_dim3A_740 = vector.broadcast %broadcast_in_dim3A_739 : i32 to vector<16xi32>
    %gather3A_741 = tpu.vector_load_idx %arg9[%add3A_608, %broadcast_in_dim3A_740] : memref<64x32xf32, #tpu.memory_space<vmem>>[vector<16xi32>, vector<16xi32>], vector<16xf32>,
    %mul3A_742 = arith.mulf %gather3A_741, %gather3A_84 : vector<16xf32>
    %add3A_743 = arith.addf %add3A_738, %mul3A_742 : vector<16xf32>
    %broadcast_in_dim3A_744 = arith.constant 27 : i32
    %broadcast_in_dim3A_745 = vector.broadcast %broadcast_in_dim3A_744 : i32 to vector<16xi32>
    %gather3A_746 = tpu.vector_load_idx %arg9[%add3A_608, %broadcast_in_dim3A_745] : memref<64x32xf32, #tpu.memory_space<vmem>>[vector<16xi32>, vector<16xi32>], vector<16xf32>,
    %mul3A_747 = arith.mulf %gather3A_746, %gather3A_87 : vector<16xf32>
    %add3A_748 = arith.addf %add3A_743, %mul3A_747 : vector<16xf32>
    %broadcast_in_dim3A_749 = arith.constant 28 : i32
    %broadcast_in_dim3A_750 = vector.broadcast %broadcast_in_dim3A_749 : i32 to vector<16xi32>
    %gather3A_751 = tpu.vector_load_idx %arg9[%add3A_608, %broadcast_in_dim3A_750] : memref<64x32xf32, #tpu.memory_space<vmem>>[vector<16xi32>, vector<16xi32>], vector<16xf32>,
    %mul3A_752 = arith.mulf %gather3A_751, %gather3A_90 : vector<16xf32>
    %add3A_753 = arith.addf %add3A_748, %mul3A_752 : vector<16xf32>
    %broadcast_in_dim3A_754 = arith.constant 29 : i32
    %broadcast_in_dim3A_755 = vector.broadcast %broadcast_in_dim3A_754 : i32 to vector<16xi32>
    %gather3A_756 = tpu.vector_load_idx %arg9[%add3A_608, %broadcast_in_dim3A_755] : memref<64x32xf32, #tpu.memory_space<vmem>>[vector<16xi32>, vector<16xi32>], vector<16xf32>,
    %mul3A_757 = arith.mulf %gather3A_756, %gather3A_93 : vector<16xf32>
    %add3A_758 = arith.addf %add3A_753, %mul3A_757 : vector<16xf32>
    %broadcast_in_dim3A_759 = arith.constant 30 : i32
    %broadcast_in_dim3A_760 = vector.broadcast %broadcast_in_dim3A_759 : i32 to vector<16xi32>
    %gather3A_761 = tpu.vector_load_idx %arg9[%add3A_608, %broadcast_in_dim3A_760] : memref<64x32xf32, #tpu.memory_space<vmem>>[vector<16xi32>, vector<16xi32>], vector<16xf32>,
    %mul3A_762 = arith.mulf %gather3A_761, %gather3A_96 : vector<16xf32>
    %add3A_763 = arith.addf %add3A_758, %mul3A_762 : vector<16xf32>
    %broadcast_in_dim3A_764 = arith.constant 31 : i32
    %broadcast_in_dim3A_765 = vector.broadcast %broadcast_in_dim3A_764 : i32 to vector<16xi32>
    %gather3A_766 = tpu.vector_load_idx %arg9[%add3A_608, %broadcast_in_dim3A_765] : memref<64x32xf32, #tpu.memory_space<vmem>>[vector<16xi32>, vector<16xi32>], vector<16xf32>,
    %mul3A_767 = arith.mulf %gather3A_766, %gather3A_99 : vector<16xf32>
    %add3A_768 = arith.addf %add3A_763, %mul3A_767 : vector<16xf32>
    %mul3A_769 = arith.constant 5.000000e-03 : f32
    %mul3A_770 = vector.broadcast %mul3A_769 : f32 to vector<16xf32>
    %mul3A_771 = arith.mulf %add3A_768, %mul3A_770 : vector<16xf32>
    %swap3A_772 = arith.constant 48 : index
    %swap3A_773 = tpu.vector_load %arg11[%swap3A_772] {strides = array<i32>} : memref<64xf32, #tpu.memory_space<vmem>>, vector<16xf32>,
    tpu.vector_store %arg11[%swap3A_772], %mul3A_771 {strides = array<i32>} : memref<64xf32, #tpu.memory_space<vmem>>, vector<16xf32>,
    %mul3A_774 = arith.constant 64 : i32
    %mul3A_775 = arith.muli %arg1, %mul3A_774 : i32
    "tpu.region"() ({
      %run_scoped3A = tpu.sem_alloc : memref<!tpu.dma_semaphore, #tpu.memory_space<semaphore_mem>>
      %dma_start3A_941 = tpu.memref_slice %arg12[%mul3A_775] : memref<1024xf32, #tpu.memory_space<vmem_shared>> -> memref<64xf32, #tpu.memory_space<vmem_shared>>
      %dma_start3A_942 = tpu.memref_slice %arg12[%mul3A_775] : memref<1024xf32, #tpu.memory_space<vmem_shared>> -> memref<64xf32, #tpu.memory_space<vmem_shared>>
      tpu.enqueue_dma source(%arg11 : memref<64xf32, #tpu.memory_space<vmem>>) target(%dma_start3A_942 : memref<64xf32, #tpu.memory_space<vmem_shared>>) target_semaphore(%run_scoped3A : memref<!tpu.dma_semaphore, #tpu.memory_space<semaphore_mem>>)
      %dma_wait3A_943 = tpu.memref_slice %arg12[%mul3A_775] : memref<1024xf32, #tpu.memory_space<vmem_shared>> -> memref<64xf32, #tpu.memory_space<vmem_shared>>
      %dma_wait3A_944 = tpu.memref_slice %arg12[%mul3A_775] : memref<1024xf32, #tpu.memory_space<vmem_shared>> -> memref<64xf32, #tpu.memory_space<vmem_shared>>
      tpu.wait_dma2 semaphore(%run_scoped3A : memref<!tpu.dma_semaphore, #tpu.memory_space<semaphore_mem>>) src(%arg11 : memref<64xf32, #tpu.memory_space<vmem>>) dst(%dma_wait3A_944 : memref<64xf32, #tpu.memory_space<vmem_shared>>)
      tpu.yield
    }) : () -> ()
    %barrier3A = arith.constant 0 : index
    tpu.barrier barrier_id(%barrier3A)
    "tpu.region"() ({
      %run_scoped3A = tpu.sem_alloc : memref<!tpu.dma_semaphore, #tpu.memory_space<semaphore_mem>>
      tpu.enqueue_dma source(%arg12 : memref<1024xf32, #tpu.memory_space<vmem_shared>>) target(%arg6 : memref<1024xf32, #tpu.memory_space<vmem>>) target_semaphore(%run_scoped3A : memref<!tpu.dma_semaphore, #tpu.memory_space<semaphore_mem>>)
      tpu.wait_dma2 semaphore(%run_scoped3A : memref<!tpu.dma_semaphore, #tpu.memory_space<semaphore_mem>>) src(%arg12 : memref<1024xf32, #tpu.memory_space<vmem_shared>>) dst(%arg6 : memref<1024xf32, #tpu.memory_space<vmem>>)
      tpu.yield
    }) : () -> ()
    %dma_wait3A = tpu.memref_slice %arg4[%mul3A_2] : memref<819200xi32, #tpu.memory_space<hbm>> -> memref<25600xi32, #tpu.memory_space<hbm>>
    %dma_wait3A_776 = tpu.memref_slice %arg4[%mul3A_2] : memref<819200xi32, #tpu.memory_space<hbm>> -> memref<25600xi32, #tpu.memory_space<hbm>>
    tpu.wait_dma2 semaphore(%arg13 : memref<!tpu.dma_semaphore, #tpu.memory_space<semaphore_mem>>) src(%dma_wait3A_776 : memref<25600xi32, #tpu.memory_space<hbm>>) dst(%arg7 : memref<25600xi32, #tpu.memory_space<vmem>>)
    %add3A_777 = arith.constant 0 : i32
    %add3A_778 = vector.broadcast %add3A_777 : i32 to vector<16xi32>
    %add3A_779 = arith.addi %add3A_778, %iota3A : vector<16xi32>
    %mul3A_780 = arith.constant 200 : i32
    %mul3A_781 = vector.broadcast %mul3A_780 : i32 to vector<16xi32>
    %mul3A_782 = arith.muli %add3A_779, %mul3A_781 : vector<16xi32>
    %add3A_783 = arith.constant 16 : i32
    %add3A_784 = vector.broadcast %add3A_783 : i32 to vector<16xi32>
    %add3A_785 = arith.addi %add3A_784, %iota3A : vector<16xi32>
    %mul3A_786 = arith.constant 200 : i32
    %mul3A_787 = vector.broadcast %mul3A_786 : i32 to vector<16xi32>
    %mul3A_788 = arith.muli %add3A_785, %mul3A_787 : vector<16xi32>
    %add3A_789 = arith.constant 32 : i32
    %add3A_790 = vector.broadcast %add3A_789 : i32 to vector<16xi32>
    %add3A_791 = arith.addi %add3A_790, %iota3A : vector<16xi32>
    %mul3A_792 = arith.constant 200 : i32
    %mul3A_793 = vector.broadcast %mul3A_792 : i32 to vector<16xi32>
    %mul3A_794 = arith.muli %add3A_791, %mul3A_793 : vector<16xi32>
    %add3A_795 = arith.constant 48 : i32
    %add3A_796 = vector.broadcast %add3A_795 : i32 to vector<16xi32>
    %add3A_797 = arith.addi %add3A_796, %iota3A : vector<16xi32>
    %mul3A_798 = arith.constant 200 : i32
    %mul3A_799 = vector.broadcast %mul3A_798 : i32 to vector<16xi32>
    %mul3A_800 = arith.muli %add3A_797, %mul3A_799 : vector<16xi32>
    %add3A_801 = arith.constant 64 : i32
    %add3A_802 = vector.broadcast %add3A_801 : i32 to vector<16xi32>
    %add3A_803 = arith.addi %add3A_802, %iota3A : vector<16xi32>
    %mul3A_804 = arith.constant 200 : i32
    %mul3A_805 = vector.broadcast %mul3A_804 : i32 to vector<16xi32>
    %mul3A_806 = arith.muli %add3A_803, %mul3A_805 : vector<16xi32>
    %add3A_807 = arith.constant 80 : i32
    %add3A_808 = vector.broadcast %add3A_807 : i32 to vector<16xi32>
    %add3A_809 = arith.addi %add3A_808, %iota3A : vector<16xi32>
    %mul3A_810 = arith.constant 200 : i32
    %mul3A_811 = vector.broadcast %mul3A_810 : i32 to vector<16xi32>
    %mul3A_812 = arith.muli %add3A_809, %mul3A_811 : vector<16xi32>
    %add3A_813 = arith.constant 96 : i32
    %add3A_814 = vector.broadcast %add3A_813 : i32 to vector<16xi32>
    %add3A_815 = arith.addi %add3A_814, %iota3A : vector<16xi32>
    %mul3A_816 = arith.constant 200 : i32
    %mul3A_817 = vector.broadcast %mul3A_816 : i32 to vector<16xi32>
    %mul3A_818 = arith.muli %add3A_815, %mul3A_817 : vector<16xi32>
    %add3A_819 = arith.constant 112 : i32
    %add3A_820 = vector.broadcast %add3A_819 : i32 to vector<16xi32>
    %add3A_821 = arith.addi %add3A_820, %iota3A : vector<16xi32>
    %mul3A_822 = arith.constant 200 : i32
    %mul3A_823 = vector.broadcast %mul3A_822 : i32 to vector<16xi32>
    %mul3A_824 = arith.muli %add3A_821, %mul3A_823 : vector<16xi32>
    %broadcast_in_dim3A_825 = arith.constant 0.000000e+00 : f32
    %broadcast_in_dim3A_826 = vector.broadcast %broadcast_in_dim3A_825 : f32 to vector<16xf32>
    %broadcast_in_dim3A_827 = arith.constant 0.000000e+00 : f32
    %broadcast_in_dim3A_828 = vector.broadcast %broadcast_in_dim3A_827 : f32 to vector<16xf32>
    %broadcast_in_dim3A_829 = arith.constant 0.000000e+00 : f32
    %broadcast_in_dim3A_830 = vector.broadcast %broadcast_in_dim3A_829 : f32 to vector<16xf32>
    %broadcast_in_dim3A_831 = arith.constant 0.000000e+00 : f32
    %broadcast_in_dim3A_832 = vector.broadcast %broadcast_in_dim3A_831 : f32 to vector<16xf32>
    %broadcast_in_dim3A_833 = arith.constant 0.000000e+00 : f32
    %broadcast_in_dim3A_834 = vector.broadcast %broadcast_in_dim3A_833 : f32 to vector<16xf32>
    %broadcast_in_dim3A_835 = arith.constant 0.000000e+00 : f32
    %broadcast_in_dim3A_836 = vector.broadcast %broadcast_in_dim3A_835 : f32 to vector<16xf32>
    %broadcast_in_dim3A_837 = arith.constant 0.000000e+00 : f32
    %broadcast_in_dim3A_838 = vector.broadcast %broadcast_in_dim3A_837 : f32 to vector<16xf32>
    %broadcast_in_dim3A_839 = arith.constant 0.000000e+00 : f32
    %broadcast_in_dim3A_840 = vector.broadcast %broadcast_in_dim3A_839 : f32 to vector<16xf32>
    %scan3A = arith.constant 0 : i32
    %scan3A_841 = arith.constant 200 : i32
    %scan3A_842 = arith.addi %scan3A, %scan3A_841 : i32
    %scan3A_843 = arith.constant 4 : i32
    %scan3A_844:8 = scf.for %scan3A_941 = %scan3A to %scan3A_842 step %scan3A_843 iter_args(%scan3A_942 = %broadcast_in_dim3A_826, %scan3A_943 = %broadcast_in_dim3A_828, %scan3A_944 = %broadcast_in_dim3A_830, %scan3A_945 = %broadcast_in_dim3A_832, %scan3A_946 = %broadcast_in_dim3A_834, %scan3A_947 = %broadcast_in_dim3A_836, %scan3A_948 = %broadcast_in_dim3A_838, %scan3A_949 = %broadcast_in_dim3A_840) -> (vector<16xf32>, vector<16xf32>, vector<16xf32>, vector<16xf32>, vector<16xf32>, vector<16xf32>, vector<16xf32>, vector<16xf32>)  : i32 {
      %add3A_950 = vector.broadcast %scan3A_941 : i32 to vector<16xi32>
      %add3A_951 = arith.addi %mul3A_782, %add3A_950 : vector<16xi32>
      %gather3A_952 = tpu.vector_load_idx %arg7[%add3A_951] : memref<25600xi32, #tpu.memory_space<vmem>>[vector<16xi32>], vector<16xi32>,
      %gather3A_953 = tpu.vector_load_idx %arg6[%gather3A_952] : memref<1024xf32, #tpu.memory_space<vmem>>[vector<16xi32>], vector<16xf32>,
      %add3A_954 = arith.addf %scan3A_942, %gather3A_953 : vector<16xf32>
      %add3A_955 = vector.broadcast %scan3A_941 : i32 to vector<16xi32>
      %add3A_956 = arith.addi %mul3A_788, %add3A_955 : vector<16xi32>
      %gather3A_957 = tpu.vector_load_idx %arg7[%add3A_956] : memref<25600xi32, #tpu.memory_space<vmem>>[vector<16xi32>], vector<16xi32>,
      %gather3A_958 = tpu.vector_load_idx %arg6[%gather3A_957] : memref<1024xf32, #tpu.memory_space<vmem>>[vector<16xi32>], vector<16xf32>,
      %add3A_959 = arith.addf %scan3A_943, %gather3A_958 : vector<16xf32>
      %add3A_960 = vector.broadcast %scan3A_941 : i32 to vector<16xi32>
      %add3A_961 = arith.addi %mul3A_794, %add3A_960 : vector<16xi32>
      %gather3A_962 = tpu.vector_load_idx %arg7[%add3A_961] : memref<25600xi32, #tpu.memory_space<vmem>>[vector<16xi32>], vector<16xi32>,
      %gather3A_963 = tpu.vector_load_idx %arg6[%gather3A_962] : memref<1024xf32, #tpu.memory_space<vmem>>[vector<16xi32>], vector<16xf32>,
      %add3A_964 = arith.addf %scan3A_944, %gather3A_963 : vector<16xf32>
      %add3A_965 = vector.broadcast %scan3A_941 : i32 to vector<16xi32>
      %add3A_966 = arith.addi %mul3A_800, %add3A_965 : vector<16xi32>
      %gather3A_967 = tpu.vector_load_idx %arg7[%add3A_966] : memref<25600xi32, #tpu.memory_space<vmem>>[vector<16xi32>], vector<16xi32>,
      %gather3A_968 = tpu.vector_load_idx %arg6[%gather3A_967] : memref<1024xf32, #tpu.memory_space<vmem>>[vector<16xi32>], vector<16xf32>,
      %add3A_969 = arith.addf %scan3A_945, %gather3A_968 : vector<16xf32>
      %add3A_970 = vector.broadcast %scan3A_941 : i32 to vector<16xi32>
      %add3A_971 = arith.addi %mul3A_806, %add3A_970 : vector<16xi32>
      %gather3A_972 = tpu.vector_load_idx %arg7[%add3A_971] : memref<25600xi32, #tpu.memory_space<vmem>>[vector<16xi32>], vector<16xi32>,
      %gather3A_973 = tpu.vector_load_idx %arg6[%gather3A_972] : memref<1024xf32, #tpu.memory_space<vmem>>[vector<16xi32>], vector<16xf32>,
      %add3A_974 = arith.addf %scan3A_946, %gather3A_973 : vector<16xf32>
      %add3A_975 = vector.broadcast %scan3A_941 : i32 to vector<16xi32>
      %add3A_976 = arith.addi %mul3A_812, %add3A_975 : vector<16xi32>
      %gather3A_977 = tpu.vector_load_idx %arg7[%add3A_976] : memref<25600xi32, #tpu.memory_space<vmem>>[vector<16xi32>], vector<16xi32>,
      %gather3A_978 = tpu.vector_load_idx %arg6[%gather3A_977] : memref<1024xf32, #tpu.memory_space<vmem>>[vector<16xi32>], vector<16xf32>,
      %add3A_979 = arith.addf %scan3A_947, %gather3A_978 : vector<16xf32>
      %add3A_980 = vector.broadcast %scan3A_941 : i32 to vector<16xi32>
      %add3A_981 = arith.addi %mul3A_818, %add3A_980 : vector<16xi32>
      %gather3A_982 = tpu.vector_load_idx %arg7[%add3A_981] : memref<25600xi32, #tpu.memory_space<vmem>>[vector<16xi32>], vector<16xi32>,
      %gather3A_983 = tpu.vector_load_idx %arg6[%gather3A_982] : memref<1024xf32, #tpu.memory_space<vmem>>[vector<16xi32>], vector<16xf32>,
      %add3A_984 = arith.addf %scan3A_948, %gather3A_983 : vector<16xf32>
      %add3A_985 = vector.broadcast %scan3A_941 : i32 to vector<16xi32>
      %add3A_986 = arith.addi %mul3A_824, %add3A_985 : vector<16xi32>
      %gather3A_987 = tpu.vector_load_idx %arg7[%add3A_986] : memref<25600xi32, #tpu.memory_space<vmem>>[vector<16xi32>], vector<16xi32>,
      %gather3A_988 = tpu.vector_load_idx %arg6[%gather3A_987] : memref<1024xf32, #tpu.memory_space<vmem>>[vector<16xi32>], vector<16xf32>,
      %add3A_989 = arith.addf %scan3A_949, %gather3A_988 : vector<16xf32>
      %scan3A_990 = arith.constant 1 : i32
      %scan3A_991 = arith.addi %scan3A_941, %scan3A_990 : i32
      %add3A_992 = vector.broadcast %scan3A_991 : i32 to vector<16xi32>
      %add3A_993 = arith.addi %mul3A_782, %add3A_992 : vector<16xi32>
      %gather3A_994 = tpu.vector_load_idx %arg7[%add3A_993] : memref<25600xi32, #tpu.memory_space<vmem>>[vector<16xi32>], vector<16xi32>,
      %gather3A_995 = tpu.vector_load_idx %arg6[%gather3A_994] : memref<1024xf32, #tpu.memory_space<vmem>>[vector<16xi32>], vector<16xf32>,
      %add3A_996 = arith.addf %add3A_954, %gather3A_995 : vector<16xf32>
      %add3A_997 = vector.broadcast %scan3A_991 : i32 to vector<16xi32>
      %add3A_998 = arith.addi %mul3A_788, %add3A_997 : vector<16xi32>
      %gather3A_999 = tpu.vector_load_idx %arg7[%add3A_998] : memref<25600xi32, #tpu.memory_space<vmem>>[vector<16xi32>], vector<16xi32>,
      %gather3A_1000 = tpu.vector_load_idx %arg6[%gather3A_999] : memref<1024xf32, #tpu.memory_space<vmem>>[vector<16xi32>], vector<16xf32>,
      %add3A_1001 = arith.addf %add3A_959, %gather3A_1000 : vector<16xf32>
      %add3A_1002 = vector.broadcast %scan3A_991 : i32 to vector<16xi32>
      %add3A_1003 = arith.addi %mul3A_794, %add3A_1002 : vector<16xi32>
      %gather3A_1004 = tpu.vector_load_idx %arg7[%add3A_1003] : memref<25600xi32, #tpu.memory_space<vmem>>[vector<16xi32>], vector<16xi32>,
      %gather3A_1005 = tpu.vector_load_idx %arg6[%gather3A_1004] : memref<1024xf32, #tpu.memory_space<vmem>>[vector<16xi32>], vector<16xf32>,
      %add3A_1006 = arith.addf %add3A_964, %gather3A_1005 : vector<16xf32>
      %add3A_1007 = vector.broadcast %scan3A_991 : i32 to vector<16xi32>
      %add3A_1008 = arith.addi %mul3A_800, %add3A_1007 : vector<16xi32>
      %gather3A_1009 = tpu.vector_load_idx %arg7[%add3A_1008] : memref<25600xi32, #tpu.memory_space<vmem>>[vector<16xi32>], vector<16xi32>,
      %gather3A_1010 = tpu.vector_load_idx %arg6[%gather3A_1009] : memref<1024xf32, #tpu.memory_space<vmem>>[vector<16xi32>], vector<16xf32>,
      %add3A_1011 = arith.addf %add3A_969, %gather3A_1010 : vector<16xf32>
      %add3A_1012 = vector.broadcast %scan3A_991 : i32 to vector<16xi32>
      %add3A_1013 = arith.addi %mul3A_806, %add3A_1012 : vector<16xi32>
      %gather3A_1014 = tpu.vector_load_idx %arg7[%add3A_1013] : memref<25600xi32, #tpu.memory_space<vmem>>[vector<16xi32>], vector<16xi32>,
      %gather3A_1015 = tpu.vector_load_idx %arg6[%gather3A_1014] : memref<1024xf32, #tpu.memory_space<vmem>>[vector<16xi32>], vector<16xf32>,
      %add3A_1016 = arith.addf %add3A_974, %gather3A_1015 : vector<16xf32>
      %add3A_1017 = vector.broadcast %scan3A_991 : i32 to vector<16xi32>
      %add3A_1018 = arith.addi %mul3A_812, %add3A_1017 : vector<16xi32>
      %gather3A_1019 = tpu.vector_load_idx %arg7[%add3A_1018] : memref<25600xi32, #tpu.memory_space<vmem>>[vector<16xi32>], vector<16xi32>,
      %gather3A_1020 = tpu.vector_load_idx %arg6[%gather3A_1019] : memref<1024xf32, #tpu.memory_space<vmem>>[vector<16xi32>], vector<16xf32>,
      %add3A_1021 = arith.addf %add3A_979, %gather3A_1020 : vector<16xf32>
      %add3A_1022 = vector.broadcast %scan3A_991 : i32 to vector<16xi32>
      %add3A_1023 = arith.addi %mul3A_818, %add3A_1022 : vector<16xi32>
      %gather3A_1024 = tpu.vector_load_idx %arg7[%add3A_1023] : memref<25600xi32, #tpu.memory_space<vmem>>[vector<16xi32>], vector<16xi32>,
      %gather3A_1025 = tpu.vector_load_idx %arg6[%gather3A_1024] : memref<1024xf32, #tpu.memory_space<vmem>>[vector<16xi32>], vector<16xf32>,
      %add3A_1026 = arith.addf %add3A_984, %gather3A_1025 : vector<16xf32>
      %add3A_1027 = vector.broadcast %scan3A_991 : i32 to vector<16xi32>
      %add3A_1028 = arith.addi %mul3A_824, %add3A_1027 : vector<16xi32>
      %gather3A_1029 = tpu.vector_load_idx %arg7[%add3A_1028] : memref<25600xi32, #tpu.memory_space<vmem>>[vector<16xi32>], vector<16xi32>,
      %gather3A_1030 = tpu.vector_load_idx %arg6[%gather3A_1029] : memref<1024xf32, #tpu.memory_space<vmem>>[vector<16xi32>], vector<16xf32>,
      %add3A_1031 = arith.addf %add3A_989, %gather3A_1030 : vector<16xf32>
      %scan3A_1032 = arith.constant 2 : i32
      %scan3A_1033 = arith.addi %scan3A_941, %scan3A_1032 : i32
      %add3A_1034 = vector.broadcast %scan3A_1033 : i32 to vector<16xi32>
      %add3A_1035 = arith.addi %mul3A_782, %add3A_1034 : vector<16xi32>
      %gather3A_1036 = tpu.vector_load_idx %arg7[%add3A_1035] : memref<25600xi32, #tpu.memory_space<vmem>>[vector<16xi32>], vector<16xi32>,
      %gather3A_1037 = tpu.vector_load_idx %arg6[%gather3A_1036] : memref<1024xf32, #tpu.memory_space<vmem>>[vector<16xi32>], vector<16xf32>,
      %add3A_1038 = arith.addf %add3A_996, %gather3A_1037 : vector<16xf32>
      %add3A_1039 = vector.broadcast %scan3A_1033 : i32 to vector<16xi32>
      %add3A_1040 = arith.addi %mul3A_788, %add3A_1039 : vector<16xi32>
      %gather3A_1041 = tpu.vector_load_idx %arg7[%add3A_1040] : memref<25600xi32, #tpu.memory_space<vmem>>[vector<16xi32>], vector<16xi32>,
      %gather3A_1042 = tpu.vector_load_idx %arg6[%gather3A_1041] : memref<1024xf32, #tpu.memory_space<vmem>>[vector<16xi32>], vector<16xf32>,
      %add3A_1043 = arith.addf %add3A_1001, %gather3A_1042 : vector<16xf32>
      %add3A_1044 = vector.broadcast %scan3A_1033 : i32 to vector<16xi32>
      %add3A_1045 = arith.addi %mul3A_794, %add3A_1044 : vector<16xi32>
      %gather3A_1046 = tpu.vector_load_idx %arg7[%add3A_1045] : memref<25600xi32, #tpu.memory_space<vmem>>[vector<16xi32>], vector<16xi32>,
      %gather3A_1047 = tpu.vector_load_idx %arg6[%gather3A_1046] : memref<1024xf32, #tpu.memory_space<vmem>>[vector<16xi32>], vector<16xf32>,
      %add3A_1048 = arith.addf %add3A_1006, %gather3A_1047 : vector<16xf32>
      %add3A_1049 = vector.broadcast %scan3A_1033 : i32 to vector<16xi32>
      %add3A_1050 = arith.addi %mul3A_800, %add3A_1049 : vector<16xi32>
      %gather3A_1051 = tpu.vector_load_idx %arg7[%add3A_1050] : memref<25600xi32, #tpu.memory_space<vmem>>[vector<16xi32>], vector<16xi32>,
      %gather3A_1052 = tpu.vector_load_idx %arg6[%gather3A_1051] : memref<1024xf32, #tpu.memory_space<vmem>>[vector<16xi32>], vector<16xf32>,
      %add3A_1053 = arith.addf %add3A_1011, %gather3A_1052 : vector<16xf32>
      %add3A_1054 = vector.broadcast %scan3A_1033 : i32 to vector<16xi32>
      %add3A_1055 = arith.addi %mul3A_806, %add3A_1054 : vector<16xi32>
      %gather3A_1056 = tpu.vector_load_idx %arg7[%add3A_1055] : memref<25600xi32, #tpu.memory_space<vmem>>[vector<16xi32>], vector<16xi32>,
      %gather3A_1057 = tpu.vector_load_idx %arg6[%gather3A_1056] : memref<1024xf32, #tpu.memory_space<vmem>>[vector<16xi32>], vector<16xf32>,
      %add3A_1058 = arith.addf %add3A_1016, %gather3A_1057 : vector<16xf32>
      %add3A_1059 = vector.broadcast %scan3A_1033 : i32 to vector<16xi32>
      %add3A_1060 = arith.addi %mul3A_812, %add3A_1059 : vector<16xi32>
      %gather3A_1061 = tpu.vector_load_idx %arg7[%add3A_1060] : memref<25600xi32, #tpu.memory_space<vmem>>[vector<16xi32>], vector<16xi32>,
      %gather3A_1062 = tpu.vector_load_idx %arg6[%gather3A_1061] : memref<1024xf32, #tpu.memory_space<vmem>>[vector<16xi32>], vector<16xf32>,
      %add3A_1063 = arith.addf %add3A_1021, %gather3A_1062 : vector<16xf32>
      %add3A_1064 = vector.broadcast %scan3A_1033 : i32 to vector<16xi32>
      %add3A_1065 = arith.addi %mul3A_818, %add3A_1064 : vector<16xi32>
      %gather3A_1066 = tpu.vector_load_idx %arg7[%add3A_1065] : memref<25600xi32, #tpu.memory_space<vmem>>[vector<16xi32>], vector<16xi32>,
      %gather3A_1067 = tpu.vector_load_idx %arg6[%gather3A_1066] : memref<1024xf32, #tpu.memory_space<vmem>>[vector<16xi32>], vector<16xf32>,
      %add3A_1068 = arith.addf %add3A_1026, %gather3A_1067 : vector<16xf32>
      %add3A_1069 = vector.broadcast %scan3A_1033 : i32 to vector<16xi32>
      %add3A_1070 = arith.addi %mul3A_824, %add3A_1069 : vector<16xi32>
      %gather3A_1071 = tpu.vector_load_idx %arg7[%add3A_1070] : memref<25600xi32, #tpu.memory_space<vmem>>[vector<16xi32>], vector<16xi32>,
      %gather3A_1072 = tpu.vector_load_idx %arg6[%gather3A_1071] : memref<1024xf32, #tpu.memory_space<vmem>>[vector<16xi32>], vector<16xf32>,
      %add3A_1073 = arith.addf %add3A_1031, %gather3A_1072 : vector<16xf32>
      %scan3A_1074 = arith.constant 3 : i32
      %scan3A_1075 = arith.addi %scan3A_941, %scan3A_1074 : i32
      %add3A_1076 = vector.broadcast %scan3A_1075 : i32 to vector<16xi32>
      %add3A_1077 = arith.addi %mul3A_782, %add3A_1076 : vector<16xi32>
      %gather3A_1078 = tpu.vector_load_idx %arg7[%add3A_1077] : memref<25600xi32, #tpu.memory_space<vmem>>[vector<16xi32>], vector<16xi32>,
      %gather3A_1079 = tpu.vector_load_idx %arg6[%gather3A_1078] : memref<1024xf32, #tpu.memory_space<vmem>>[vector<16xi32>], vector<16xf32>,
      %add3A_1080 = arith.addf %add3A_1038, %gather3A_1079 : vector<16xf32>
      %add3A_1081 = vector.broadcast %scan3A_1075 : i32 to vector<16xi32>
      %add3A_1082 = arith.addi %mul3A_788, %add3A_1081 : vector<16xi32>
      %gather3A_1083 = tpu.vector_load_idx %arg7[%add3A_1082] : memref<25600xi32, #tpu.memory_space<vmem>>[vector<16xi32>], vector<16xi32>,
      %gather3A_1084 = tpu.vector_load_idx %arg6[%gather3A_1083] : memref<1024xf32, #tpu.memory_space<vmem>>[vector<16xi32>], vector<16xf32>,
      %add3A_1085 = arith.addf %add3A_1043, %gather3A_1084 : vector<16xf32>
      %add3A_1086 = vector.broadcast %scan3A_1075 : i32 to vector<16xi32>
      %add3A_1087 = arith.addi %mul3A_794, %add3A_1086 : vector<16xi32>
      %gather3A_1088 = tpu.vector_load_idx %arg7[%add3A_1087] : memref<25600xi32, #tpu.memory_space<vmem>>[vector<16xi32>], vector<16xi32>,
      %gather3A_1089 = tpu.vector_load_idx %arg6[%gather3A_1088] : memref<1024xf32, #tpu.memory_space<vmem>>[vector<16xi32>], vector<16xf32>,
      %add3A_1090 = arith.addf %add3A_1048, %gather3A_1089 : vector<16xf32>
      %add3A_1091 = vector.broadcast %scan3A_1075 : i32 to vector<16xi32>
      %add3A_1092 = arith.addi %mul3A_800, %add3A_1091 : vector<16xi32>
      %gather3A_1093 = tpu.vector_load_idx %arg7[%add3A_1092] : memref<25600xi32, #tpu.memory_space<vmem>>[vector<16xi32>], vector<16xi32>,
      %gather3A_1094 = tpu.vector_load_idx %arg6[%gather3A_1093] : memref<1024xf32, #tpu.memory_space<vmem>>[vector<16xi32>], vector<16xf32>,
      %add3A_1095 = arith.addf %add3A_1053, %gather3A_1094 : vector<16xf32>
      %add3A_1096 = vector.broadcast %scan3A_1075 : i32 to vector<16xi32>
      %add3A_1097 = arith.addi %mul3A_806, %add3A_1096 : vector<16xi32>
      %gather3A_1098 = tpu.vector_load_idx %arg7[%add3A_1097] : memref<25600xi32, #tpu.memory_space<vmem>>[vector<16xi32>], vector<16xi32>,
      %gather3A_1099 = tpu.vector_load_idx %arg6[%gather3A_1098] : memref<1024xf32, #tpu.memory_space<vmem>>[vector<16xi32>], vector<16xf32>,
      %add3A_1100 = arith.addf %add3A_1058, %gather3A_1099 : vector<16xf32>
      %add3A_1101 = vector.broadcast %scan3A_1075 : i32 to vector<16xi32>
      %add3A_1102 = arith.addi %mul3A_812, %add3A_1101 : vector<16xi32>
      %gather3A_1103 = tpu.vector_load_idx %arg7[%add3A_1102] : memref<25600xi32, #tpu.memory_space<vmem>>[vector<16xi32>], vector<16xi32>,
      %gather3A_1104 = tpu.vector_load_idx %arg6[%gather3A_1103] : memref<1024xf32, #tpu.memory_space<vmem>>[vector<16xi32>], vector<16xf32>,
      %add3A_1105 = arith.addf %add3A_1063, %gather3A_1104 : vector<16xf32>
      %add3A_1106 = vector.broadcast %scan3A_1075 : i32 to vector<16xi32>
      %add3A_1107 = arith.addi %mul3A_818, %add3A_1106 : vector<16xi32>
      %gather3A_1108 = tpu.vector_load_idx %arg7[%add3A_1107] : memref<25600xi32, #tpu.memory_space<vmem>>[vector<16xi32>], vector<16xi32>,
      %gather3A_1109 = tpu.vector_load_idx %arg6[%gather3A_1108] : memref<1024xf32, #tpu.memory_space<vmem>>[vector<16xi32>], vector<16xf32>,
      %add3A_1110 = arith.addf %add3A_1068, %gather3A_1109 : vector<16xf32>
      %add3A_1111 = vector.broadcast %scan3A_1075 : i32 to vector<16xi32>
      %add3A_1112 = arith.addi %mul3A_824, %add3A_1111 : vector<16xi32>
      %gather3A_1113 = tpu.vector_load_idx %arg7[%add3A_1112] : memref<25600xi32, #tpu.memory_space<vmem>>[vector<16xi32>], vector<16xi32>,
      %gather3A_1114 = tpu.vector_load_idx %arg6[%gather3A_1113] : memref<1024xf32, #tpu.memory_space<vmem>>[vector<16xi32>], vector<16xf32>,
      %add3A_1115 = arith.addf %add3A_1073, %gather3A_1114 : vector<16xf32>
      scf.yield %add3A_1080, %add3A_1085, %add3A_1090, %add3A_1095, %add3A_1100, %add3A_1105, %add3A_1110, %add3A_1115 : vector<16xf32>, vector<16xf32>, vector<16xf32>, vector<16xf32>, vector<16xf32>, vector<16xf32>, vector<16xf32>, vector<16xf32>
    }
    %scan3A_845 = arith.constant 200 : i32
    %neg3A = arith.constant 0.000000e+00 : f32
    %neg3A_846 = vector.broadcast %neg3A : f32 to vector<16xf32>
    %neg3A_847 = arith.subf %neg3A_846, %scan3A_844#0 : vector<16xf32>
    %exp3A = math.exp %neg3A_847 : vector<16xf32>
    %add3A_848 = arith.constant 1.000000e+00 : f32
    %add3A_849 = vector.broadcast %add3A_848 : f32 to vector<16xf32>
    %add3A_850 = arith.addf %add3A_849, %exp3A : vector<16xf32>
    %div3A = arith.constant 1.000000e+00 : f32
    %div3A_851 = vector.broadcast %div3A : f32 to vector<16xf32>
    %div3A_852 = arith.divf %div3A_851, %add3A_850 : vector<16xf32>
    %swap3A_853 = arith.constant 0 : index
    %swap3A_854 = tpu.vector_load %arg8[%swap3A_853] {strides = array<i32>} : memref<128xf32, #tpu.memory_space<vmem>>, vector<16xf32>,
    tpu.vector_store %arg8[%swap3A_853], %div3A_852 {strides = array<i32>} : memref<128xf32, #tpu.memory_space<vmem>>, vector<16xf32>,
    %neg3A_855 = arith.constant 0.000000e+00 : f32
    %neg3A_856 = vector.broadcast %neg3A_855 : f32 to vector<16xf32>
    %neg3A_857 = arith.subf %neg3A_856, %scan3A_844#1 : vector<16xf32>
    %exp3A_858 = math.exp %neg3A_857 : vector<16xf32>
    %add3A_859 = arith.constant 1.000000e+00 : f32
    %add3A_860 = vector.broadcast %add3A_859 : f32 to vector<16xf32>
    %add3A_861 = arith.addf %add3A_860, %exp3A_858 : vector<16xf32>
    %div3A_862 = arith.constant 1.000000e+00 : f32
    %div3A_863 = vector.broadcast %div3A_862 : f32 to vector<16xf32>
    %div3A_864 = arith.divf %div3A_863, %add3A_861 : vector<16xf32>
    %swap3A_865 = arith.constant 16 : index
    %swap3A_866 = tpu.vector_load %arg8[%swap3A_865] {strides = array<i32>} : memref<128xf32, #tpu.memory_space<vmem>>, vector<16xf32>,
    tpu.vector_store %arg8[%swap3A_865], %div3A_864 {strides = array<i32>} : memref<128xf32, #tpu.memory_space<vmem>>, vector<16xf32>,
    %neg3A_867 = arith.constant 0.000000e+00 : f32
    %neg3A_868 = vector.broadcast %neg3A_867 : f32 to vector<16xf32>
    %neg3A_869 = arith.subf %neg3A_868, %scan3A_844#2 : vector<16xf32>
    %exp3A_870 = math.exp %neg3A_869 : vector<16xf32>
    %add3A_871 = arith.constant 1.000000e+00 : f32
    %add3A_872 = vector.broadcast %add3A_871 : f32 to vector<16xf32>
    %add3A_873 = arith.addf %add3A_872, %exp3A_870 : vector<16xf32>
    %div3A_874 = arith.constant 1.000000e+00 : f32
    %div3A_875 = vector.broadcast %div3A_874 : f32 to vector<16xf32>
    %div3A_876 = arith.divf %div3A_875, %add3A_873 : vector<16xf32>
    %swap3A_877 = arith.constant 32 : index
    %swap3A_878 = tpu.vector_load %arg8[%swap3A_877] {strides = array<i32>} : memref<128xf32, #tpu.memory_space<vmem>>, vector<16xf32>,
    tpu.vector_store %arg8[%swap3A_877], %div3A_876 {strides = array<i32>} : memref<128xf32, #tpu.memory_space<vmem>>, vector<16xf32>,
    %neg3A_879 = arith.constant 0.000000e+00 : f32
    %neg3A_880 = vector.broadcast %neg3A_879 : f32 to vector<16xf32>
    %neg3A_881 = arith.subf %neg3A_880, %scan3A_844#3 : vector<16xf32>
    %exp3A_882 = math.exp %neg3A_881 : vector<16xf32>
    %add3A_883 = arith.constant 1.000000e+00 : f32
    %add3A_884 = vector.broadcast %add3A_883 : f32 to vector<16xf32>
    %add3A_885 = arith.addf %add3A_884, %exp3A_882 : vector<16xf32>
    %div3A_886 = arith.constant 1.000000e+00 : f32
    %div3A_887 = vector.broadcast %div3A_886 : f32 to vector<16xf32>
    %div3A_888 = arith.divf %div3A_887, %add3A_885 : vector<16xf32>
    %swap3A_889 = arith.constant 48 : index
    %swap3A_890 = tpu.vector_load %arg8[%swap3A_889] {strides = array<i32>} : memref<128xf32, #tpu.memory_space<vmem>>, vector<16xf32>,
    tpu.vector_store %arg8[%swap3A_889], %div3A_888 {strides = array<i32>} : memref<128xf32, #tpu.memory_space<vmem>>, vector<16xf32>,
    %neg3A_891 = arith.constant 0.000000e+00 : f32
    %neg3A_892 = vector.broadcast %neg3A_891 : f32 to vector<16xf32>
    %neg3A_893 = arith.subf %neg3A_892, %scan3A_844#4 : vector<16xf32>
    %exp3A_894 = math.exp %neg3A_893 : vector<16xf32>
    %add3A_895 = arith.constant 1.000000e+00 : f32
    %add3A_896 = vector.broadcast %add3A_895 : f32 to vector<16xf32>
    %add3A_897 = arith.addf %add3A_896, %exp3A_894 : vector<16xf32>
    %div3A_898 = arith.constant 1.000000e+00 : f32
    %div3A_899 = vector.broadcast %div3A_898 : f32 to vector<16xf32>
    %div3A_900 = arith.divf %div3A_899, %add3A_897 : vector<16xf32>
    %swap3A_901 = arith.constant 64 : index
    %swap3A_902 = tpu.vector_load %arg8[%swap3A_901] {strides = array<i32>} : memref<128xf32, #tpu.memory_space<vmem>>, vector<16xf32>,
    tpu.vector_store %arg8[%swap3A_901], %div3A_900 {strides = array<i32>} : memref<128xf32, #tpu.memory_space<vmem>>, vector<16xf32>,
    %neg3A_903 = arith.constant 0.000000e+00 : f32
    %neg3A_904 = vector.broadcast %neg3A_903 : f32 to vector<16xf32>
    %neg3A_905 = arith.subf %neg3A_904, %scan3A_844#5 : vector<16xf32>
    %exp3A_906 = math.exp %neg3A_905 : vector<16xf32>
    %add3A_907 = arith.constant 1.000000e+00 : f32
    %add3A_908 = vector.broadcast %add3A_907 : f32 to vector<16xf32>
    %add3A_909 = arith.addf %add3A_908, %exp3A_906 : vector<16xf32>
    %div3A_910 = arith.constant 1.000000e+00 : f32
    %div3A_911 = vector.broadcast %div3A_910 : f32 to vector<16xf32>
    %div3A_912 = arith.divf %div3A_911, %add3A_909 : vector<16xf32>
    %swap3A_913 = arith.constant 80 : index
    %swap3A_914 = tpu.vector_load %arg8[%swap3A_913] {strides = array<i32>} : memref<128xf32, #tpu.memory_space<vmem>>, vector<16xf32>,
    tpu.vector_store %arg8[%swap3A_913], %div3A_912 {strides = array<i32>} : memref<128xf32, #tpu.memory_space<vmem>>, vector<16xf32>,
    %neg3A_915 = arith.constant 0.000000e+00 : f32
    %neg3A_916 = vector.broadcast %neg3A_915 : f32 to vector<16xf32>
    %neg3A_917 = arith.subf %neg3A_916, %scan3A_844#6 : vector<16xf32>
    %exp3A_918 = math.exp %neg3A_917 : vector<16xf32>
    %add3A_919 = arith.constant 1.000000e+00 : f32
    %add3A_920 = vector.broadcast %add3A_919 : f32 to vector<16xf32>
    %add3A_921 = arith.addf %add3A_920, %exp3A_918 : vector<16xf32>
    %div3A_922 = arith.constant 1.000000e+00 : f32
    %div3A_923 = vector.broadcast %div3A_922 : f32 to vector<16xf32>
    %div3A_924 = arith.divf %div3A_923, %add3A_921 : vector<16xf32>
    %swap3A_925 = arith.constant 96 : index
    %swap3A_926 = tpu.vector_load %arg8[%swap3A_925] {strides = array<i32>} : memref<128xf32, #tpu.memory_space<vmem>>, vector<16xf32>,
    tpu.vector_store %arg8[%swap3A_925], %div3A_924 {strides = array<i32>} : memref<128xf32, #tpu.memory_space<vmem>>, vector<16xf32>,
    %neg3A_927 = arith.constant 0.000000e+00 : f32
    %neg3A_928 = vector.broadcast %neg3A_927 : f32 to vector<16xf32>
    %neg3A_929 = arith.subf %neg3A_928, %scan3A_844#7 : vector<16xf32>
    %exp3A_930 = math.exp %neg3A_929 : vector<16xf32>
    %add3A_931 = arith.constant 1.000000e+00 : f32
    %add3A_932 = vector.broadcast %add3A_931 : f32 to vector<16xf32>
    %add3A_933 = arith.addf %add3A_932, %exp3A_930 : vector<16xf32>
    %div3A_934 = arith.constant 1.000000e+00 : f32
    %div3A_935 = vector.broadcast %div3A_934 : f32 to vector<16xf32>
    %div3A_936 = arith.divf %div3A_935, %add3A_933 : vector<16xf32>
    %swap3A_937 = arith.constant 112 : index
    %swap3A_938 = tpu.vector_load %arg8[%swap3A_937] {strides = array<i32>} : memref<128xf32, #tpu.memory_space<vmem>>, vector<16xf32>,
    tpu.vector_store %arg8[%swap3A_937], %div3A_936 {strides = array<i32>} : memref<128xf32, #tpu.memory_space<vmem>>, vector<16xf32>,
    %mul3A_939 = arith.constant 128 : i32
    %mul3A_940 = arith.muli %add3A, %mul3A_939 : i32
    "tpu.region"() ({
      %run_scoped3A = tpu.sem_alloc : memref<!tpu.dma_semaphore, #tpu.memory_space<semaphore_mem>>
      %dma_start3A_941 = tpu.memref_slice %arg5[%mul3A_940] : memref<4096xf32, #tpu.memory_space<hbm>> -> memref<128xf32, #tpu.memory_space<hbm>>
      %dma_start3A_942 = tpu.memref_slice %arg5[%mul3A_940] : memref<4096xf32, #tpu.memory_space<hbm>> -> memref<128xf32, #tpu.memory_space<hbm>>
      tpu.enqueue_dma source(%arg8 : memref<128xf32, #tpu.memory_space<vmem>>) target(%dma_start3A_942 : memref<128xf32, #tpu.memory_space<hbm>>) target_semaphore(%run_scoped3A : memref<!tpu.dma_semaphore, #tpu.memory_space<semaphore_mem>>)
      %dma_wait3A_943 = tpu.memref_slice %arg5[%mul3A_940] : memref<4096xf32, #tpu.memory_space<hbm>> -> memref<128xf32, #tpu.memory_space<hbm>>
      %dma_wait3A_944 = tpu.memref_slice %arg5[%mul3A_940] : memref<4096xf32, #tpu.memory_space<hbm>> -> memref<128xf32, #tpu.memory_space<hbm>>
      tpu.wait_dma2 semaphore(%run_scoped3A : memref<!tpu.dma_semaphore, #tpu.memory_space<semaphore_mem>>) src(%arg8 : memref<128xf32, #tpu.memory_space<vmem>>) dst(%dma_wait3A_944 : memref<128xf32, #tpu.memory_space<hbm>>)
      tpu.yield
    }) : () -> ()
    return
  }
}

</mosaic_0001>

<sc_bundles>
// kernel: kernel.3.cloned.1.call-start
scs
__scs_entry_jumppad:
0x0: {  	(pc) =	sbr.rel $0x88, $3  }
0x1: {  	(tag) =	ssettag $0x0;
	lr =	simm.s32 $0x1  }
0x2: {  	[smem:$0x3F9D] =	sst lr;
	_ =	strace $0xD0000000  }
0x3: {  	_ = 	snop  }
0x4: {  	_ = 	snop  }
0x5: {  	_ = 	snop  }
0x6: {  	_ = 	snop  }
0x7: {  	_ = 	snop  }
__scs_overlays_trampoline_lowered:
0x8: {  	[smem:$0x3FAC] =	sst s0  }
0x9: {  	[smem:$0x3FAD] =	sst s1  }
0xa: {  	[smem:$0x3FAE] =	sst s2  }
0xb: {  	[smem:$0x3FAF] =	sst s3  }
0xc: {  	[smem:$0x3FB0] =	sst s4  }
0xd: {  	[smem:$0x3FB1] =	sst s5  }
0xe: {  	[smem:$0x3FB2] =	sst s6  }
0xf: {  	[smem:$0x3FB3] =	sst s7  }
0x10: {  	[smem:$0x3FB4] =	sst s8  }
0x11: {  	[smem:$0x3FB5] =	sst s9;
	s0 =	simm.s32 @!p0 $0x0  }
0x12: {  	s1 =	sld [smem:$0x3F9B];
	s0 =	simm.s32 @p0 $0x1  }
0x13: {  	[smem:$0x3FB6] =	sst s0;
	s0 =	simm.s32 @!p1 $0x0  }
0x14: {  	s2 =	sld [smem:$0x3F9A];
	s0 =	simm.s32 @p1 $0x1  }
0x15: {  	[smem:$0x3FB7] =	sst s0;
	s0 =	simm.s32 @!p2 $0x0  }
0x16: {  	s3 =	sld [smem:$0x3FDB];
	s0 =	simm.s32 @p2 $0x1  }
0x17: {  	s4 =	simm.s32 $0x1BF5;
	[smem:$0x3FB9] =	sst s0  }
0x18: {  	s0 =	sld [smem:$0x3F9C];
	_ =	swait.ge [sflag:s4], $0x0  }
0x19: {  	s7 =	sld [smem:$0x3F9D]  }
0x1a: {  	s8 =	sadd.s32 $0xFFFFE003, lr  }
0x1b: {  	s9 =	sadd.s32 $0xFFFFFEF7, lr;
	s5 =	simm.s32 $0xFFFFFFFF;
	p2 =	slt.u32 s8, $0xFFFFF086  }
0x1c: {  	p1 =	slt.u32 s9, $0xF7A;
	s5 =	simm.s32 @!p2 $0x0  }
0x1d: {  	s5 =	simm.s32 @p1 $0x1;
	p0 =	seq.s32 s7, s2  }
0x1e: {  	s7 =	smul.u32 @!p0 $0xF7A, s2;
	p2 =	seq.s32 @!p0 s5, $0x0  }
0x1f: {  	s9 =	smul.u32 $0xF7A, s1;
	s8 =	simm.s32 @!p0 $0x1BF5;
	p2 =	por !p2, p0  }
0x20: {  	[sflag:s8] =	ssyncset.s32 @!p0 $0xFFFFF086;
	s6 =	sadd.s32 @!p0 s3, s7;
	s7 =	simm.s32 @!p0 $0x108  }
0x21: {  	s3 =	sadd.s32 s3, s9;
	s6 =	sadd.s32 @!p0 $0x88, s6;
	s7 =	simm.s32 @p2 $0x1082  }
0x22: {  	[simem:s7], [sflag:s8] =	dma.local @!p0 [hbm:s6], $0xF7A  }
0x23: {  	s9 =	sor.u32 $0xD0000000, s2;
	s6 =	simm.s32 $0x108;
	_ =	swait.ge @!p0 [sflag:s8], $0x0  }
0x24: {  	s3 =	sadd.s32 $0x88, s3;
	s6 =	simm.s32 @!p1 $0x1082;
	[sflag:s4] =	ssyncset.s32 $0xFFFFF086  }
0x25: {  	[simem:s6], [sflag:s4] =	dma.local [hbm:s3], $0xF7A  }
0x26: {  	[smem:$0x3F9D] =	sst s1;
	(tag) =	ssettag s2;
	_ =	strace s9  }
0x27: {  	s1 =	sld [smem:$0x3FAD]  }
0x28: {  	s2 =	sld [smem:$0x3FAE]  }
0x29: {  	s4 =	sld [smem:$0x3FB0]  }
0x2a: {  	p0 =	seq.s32 s5, $0x0;
	s5 =	sld [smem:$0x3FB1]  }
0x2b: {  	s6 =	sld [smem:$0x3FB2]  }
0x2c: {  	s7 =	sld [smem:$0x3FB3]  }
0x2d: {  	s3 =	simm.s32 $0x108;
	s8 =	sld [smem:$0x3FB4]  }
0x2e: {  	s3 =	simm.s32 @!p0 $0x1082;
	s9 =	sld [smem:$0x3FB5]  }
0x2f: {  	lr =	sadd.s32 s0, s3;
	s0 =	sld [smem:$0x3FAC]  }
0x30: {  	s3 =	sld [smem:$0x3FAF]  }
0x31: {  	[smem:$0x3FB8] =	sst s10  }
0x32: {  	s10 =	sld [smem:$0x3FB6];
	_ =	sdelay $0x3  }
0x33: {  	p0 =	seq.s32 s10, $0x1;
	s10 =	sld [smem:$0x3FB8];
	_ =	sdelay $0x3  }
0x34: {  	[smem:$0x3FB8] =	sst s10  }
0x35: {  	s10 =	sld [smem:$0x3FB7];
	_ =	sdelay $0x3  }
0x36: {  	p1 =	seq.s32 s10, $0x1;
	s10 =	sld [smem:$0x3FB8];
	_ =	sdelay $0x3  }
0x37: {  	[smem:$0x3FB8] =	sst s10  }
0x38: {  	s10 =	sld [smem:$0x3FB9]  }
0x39: {  	_ = 	snop;
	(pc) =	sbr.ind lr, $3  }
0x3a: {  	_ = 	snop  }
0x3b: {  	_ = 	snop  }
0x3c: {  	p2 =	seq.s32 s10, $0x1;
	s10 =	sld [smem:$0x3FB8]  }
0x3d: {  	_ =	shalt  }
0x3e: {  	_ =	shalt  }
0x3f: {  	_ =	shalt  }
0x40: {  	_ =	shalt  }
0x41: {  	_ =	shalt  }
0x42: {  	_ =	shalt  }
0x43: {  	_ =	shalt  }
0x44: {  	_ =	shalt  }
0x45: {  	_ =	shalt  }
0x46: {  	_ =	shalt  }
0x47: {  	_ =	shalt  }
0x48: {  	_ =	shalt  }
0x49: {  	_ =	shalt  }
0x4a: {  	_ =	shalt  }
0x4b: {  	_ =	shalt  }
0x4c: {  	_ =	shalt  }
0x4d: {  	_ =	shalt  }
0x4e: {  	_ =	shalt  }
0x4f: {  	_ =	shalt  }
0x50: {  	_ =	shalt  }
0x51: {  	_ =	shalt  }
0x52: {  	_ =	shalt  }
0x53: {  	_ =	shalt  }
0x54: {  	_ =	shalt  }
0x55: {  	_ =	shalt  }
0x56: {  	_ =	shalt  }
0x57: {  	_ =	shalt  }
0x58: {  	_ =	shalt  }
0x59: {  	_ =	shalt  }
0x5a: {  	_ =	shalt  }
0x5b: {  	_ =	shalt  }
0x5c: {  	_ =	shalt  }
0x5d: {  	_ =	shalt  }
0x5e: {  	_ =	shalt  }
0x5f: {  	_ =	shalt  }
0x60: {  	_ =	shalt  }
0x61: {  	_ =	shalt  }
0x62: {  	_ =	shalt  }
0x63: {  	_ =	shalt  }
0x64: {  	_ =	shalt  }
0x65: {  	_ =	shalt  }
0x66: {  	_ =	shalt  }
0x67: {  	_ =	shalt  }
0x68: {  	_ =	shalt  }
0x69: {  	_ =	shalt  }
0x6a: {  	_ =	shalt  }
0x6b: {  	_ =	shalt  }
0x6c: {  	_ =	shalt  }
0x6d: {  	_ =	shalt  }
0x6e: {  	_ =	shalt  }
0x6f: {  	_ =	shalt  }
0x70: {  	_ =	shalt  }
0x71: {  	_ =	shalt  }
0x72: {  	_ =	shalt  }
0x73: {  	_ =	shalt  }
0x74: {  	_ =	shalt  }
0x75: {  	_ =	shalt  }
0x76: {  	_ =	shalt  }
0x77: {  	_ =	shalt  }
0x78: {  	_ =	shalt  }
0x79: {  	_ =	shalt  }
0x7a: {  	_ =	shalt  }
0x7b: {  	_ =	shalt  }
0x7c: {  	_ =	shalt  }
0x7d: {  	_ =	shalt  }
0x7e: {  	_ =	shalt  }
0x7f: {  	_ =	shalt  }
0x80: {  	_ =	shalt  }
0x81: {  	_ =	shalt  }
0x82: {  	_ =	shalt  }
0x83: {  	_ =	shalt  }
0x84: {  	_ =	shalt  }
0x85: {  	_ =	shalt  }
0x86: {  	_ =	shalt  }
0x87: {  	_ =	shalt  }
.Lfunc_end0:
.L_simem_size_0:
called_computation_lowered:
.L_overlay_start_0:
0x88: {  	s2 =	sld [smem:$0x3FD9]  }
0x89: {  	s3 =	sld [smem:$0x3FFE];
	_ =	sdelay $0x1  }
0x8a: {  	s1 =	srdreg.scid  }
0x8b: {  	s0 =	sand.u32 $0x1, s1  }
0x8c: {  	s17 =	sshll.u32 s0, $0xA;
	s2 =	sadd.s32 s3, s2  }
0x8d: {  	s2 =	sadd.s32 s2, s17  }
0x8e: {  	[smem:$0x3FC4] =	sst s2  }
0x8f: {  	_ = 	snop  }
0x90: {  	s2 =	sld [smem:$0x3FD0];
	(tm) =	ssettm $0x1  }
0x91: {  	s18 =	sld [smem:$0x3FFB];
	_ =	sdelay $0x3  }
0x92: {  	_ =	strace s18  }
0x93: {  	s3 =	sld [smem:$0x3FFC];
	_ =	sdelay $0x3  }
0x94: {  	_ =	strace s3  }
0x95: {  	s3 =	sld [smem:$0x3FFD];
	_ =	sdelay $0x3  }
0x96: {  	_ =	strace s3  }
0x97: {  	_ =	strace $0x8FFFFFFF  }
0x98: {  	s19 =	sld [smem:$0x3FDB];
	_ =	sdelay $0x1  }
0x99: {  	s4 =	simm.s32 $_scs_section_size  }
0x9a: {  	s5 =	simm.s32 $_size__tile_overlayer_lowered;
	s6 =	simm.s32 $_tile_overlayer_lowered  }
0x9b: {  	s22 =	simm.s32 $0x1BFF;
	s21 =	sshll.u32 s6, $0x1;
	s3 =	sadd.s32 s4, s19  }
0x9c: {  	s7 =	simm.s32 $0x0;
	s20 =	sshll.u32 s5, $0x1;
	s5 =	sadd.s32 s21, s3  }
0x9d: {  	[timem:s7], [sflag:s22] =	dma.local [hbm:s5], s20  }
0x9e: {  	_ =	swait.ge [sflag:s22], s20  }
0x9f: {  	s4 =	ssub.s32 $0x0, s20;
	[sflag:s22] =	ssyncset.done $0x0  }
0xa0: {  	[sflag:s22] =	ssyncadd.s32 s4;
	_ =	sdelay $0x1  }
0xa1: {  	s23 =	simm.s32 $0x1B8B  }
0xa2: {  	_ =	swait.ge [sflag:s23], $0x1  }
0xa3: {  	[sflag:s23] =	ssyncset.done $0x0  }
0xa4: {  	s25 =	simm.s32 $0x1B8E;
	s24 =	sld [smem:$0x3FFE];
	[sflag:s23] =	ssyncadd.s32 $0xFFFFFFFF  }
0xa5: {  	s26 =	simm.s32 $execute0_lowered;
	[smem:$0x3FD2] =	sst s25  }
0xa6: {  	s5 =	sshll.u32 s26, $0x1;
	_ =	strace $0x80000046;
	[dreg:$0x1] =	wrdreg $0xFFFFFFFF  }
0xa7: {  	s28 =	simm.s32 $_size_execute0_lowered;
	s3 =	sadd.s32 s3, s5;
	[dreg:$0x0] =	wrdreg $0x0  }
0xa8: {  	s5 =	sshll.u32 s28, $0x1;
	[dreg:$0x2] =	wrdreg s3  }
0xa9: {  	[dreg:$0x3] =	wrdreg s5  }
0xaa: {  	[dreg:$0x4] =	wrdreg $0xC0  }
0xab: {  	_ =	task [dreg:s7], $0x5FFFF  }
0xac: {  	[dreg:$0x1] =	wrdreg $0xFFFFFFFF  }
0xad: {  	[dreg:$0x0] =	wrdreg $0x60  }
0xae: {  	[dreg:$0x2] =	wrdreg s24  }
0xaf: {  	[dreg:$0x3] =	wrdreg s2  }
0xb0: {  	[dreg:$0x4] =	wrdreg $0x89800  }
0xb1: {  	[dreg:$0x5] =	wrdreg $0x9  }
0xb2: {  	_ =	task.clear_ibuf [dreg:s7], $0x6FFFF;
	_ =	strace $0x90000046  }
0xb3: {  	s29 =	simm.s32 $0x9;
	_ =	strace $0x80000048  }
0xb4: {  	_ =	swait.ge [sflag:s29], $0x1  }
0xb5: {  	[sflag:s29] =	ssyncadd.s32 $0xFFFFFFFF  }
0xb6: {  	_ =	strace $0x90000048  }
0xb7: {  	_ =	sfence  }
0xb8: {  	s30 =	sld [smem:$0x0];
	_ =	sdelay $0x2  }
0xb9: {  	s31 =	sshll.u32 s1, $0xD;
	s1 =	sshrl.u32 s1, $0x2  }
0xba: {  	s3 =	sand.u32 $0x4000, s31;
	s1 =	sadd.s32 s1, s30  }
0xbb: {  	s0 =	sor.u32 s3, s0;
	s1 =	sshll.u32 s1, $0x11  }
0xbc: {  	s0 =	sor.u32 s1, s0  }
0xbd: {  	s0 =	sadd.s32 $0x8F2B, s0  }
0xbe: {  	[sflag:s0] =	ssyncadd.remote.s32 $0x1  }
0xbf: {  	_ =	sfence.sel $0xFFFF  }
0xc0: {  	[dreg:$0x0] =	wrdreg $0xFFFFFFFF;
	(pc) =	sbr.abs _section_cstart, $3  }
0xc1: {  	[dreg:$0x1] =	wrdreg $0xFFFFFFFF  }
0xc2: {  	_ =	task.clear_ibuf [dreg:s7], $0x2FFFF;
	_ =	strace $0x9FFFFFFF  }
0xc3: {  	(tm) =	ssettm $0x7FFFFFFF  }
tec
execute0_lowered:
.L_overlay_start_1:
0x0: {  	(tag) =	ssettag $0x1  }
0x1: {  	v0 =	vlaneseq.u32  }
0x2: {  	v31 =	vmul.u32 $0x80, v0;
	_ =	sdelay $0x1  }
0x3: {  	v0 =	vor.u32 $0x1, v31  }
0x4: {  	[tilespmem:$0x1FED0] =	vst v0;
	v0 =	vor.u32 $0x2, v31  }
0x5: {  	[tilespmem:$0x1FEE0] =	vst v0;
	v0 =	vor.u32 $0x3, v31  }
0x6: {  	[tilespmem:$0x1FEF0] =	vst v0;
	v0 =	vor.u32 $0x4, v31  }
0x7: {  	[tilespmem:$0x1FF00] =	vst v0;
	v0 =	vor.u32 $0x5, v31  }
0x8: {  	[tilespmem:$0x1FF10] =	vst v0;
	v0 =	vor.u32 $0x6, v31  }
0x9: {  	s5 =	rddreg [dreg:$0x0];
	[tilespmem:$0x1FF20] =	vst v0;
	v0 =	vor.u32 $0x7, v31  }
0xa: {  	s8 =	rddreg [dreg:$0x1];
	[tilespmem:$0x1FF30] =	vst v0;
	v0 =	vor.u32 $0x8, v31  }
0xb: {  	s1 =	rddreg [dreg:$0x2];
	s3 =	simm.s32 $0x0;
	[tilespmem:$0x1FF40] =	vst v0;
	v0 =	vor.u32 $0x9, v31  }
0xc: {  	[smem:$0x7FF] =	sst s3;
	[tilespmem:$0x1FF50] =	vst v0;
	v0 =	vor.u32 $0xA, v31  }
0xd: {  	s0 =	rddreg [dreg:$0x3];
	s2 =	stileid.u32;
	_ =	strace $0x80000047;
	[tilespmem:$0x1FF60] =	vst v0;
	v0 =	vor.u32 $0xB, v31  }
0xe: {  	s4 =	srdreg.scid;
	s12 =	simm.s32 $0x2;
	s13 =	simm.s32 $0x6880;
	[tilespmem:$0x1FF70] =	vst v0;
	v0 =	vor.u32 $0xC, v31  }
0xf: {  	s14 =	simm.s32 $0x8900;
	s15 =	simm.s32 $0x1;
	s16 =	simm.s32 $0x6800;
	[tilespmem:$0x1FF80] =	vst v0;
	v0 =	vor.u32 $0xD, v31  }
0x10: {  	s17 =	simm.s32 $0x0;
	s4 =	sand.u32 $0x1, s4;
	s6 =	sshll.u32 s2, $0x1;
	[tilespmem:$0x1FF90] =	vst v0;
	v0 =	vor.u32 $0xE, v31  }
0x11: {  	s7 =	sshll.u32 s2, $0xA;
	s30 =	sshll.u32 s2, $0x6;
	s6 =	sor.u32 s4, s6;
	[tilespmem:$0x1FFA0] =	vst v0;
	v0 =	vor.u32 $0xF, v31  }
0x12: {  	s10 =	ssub.s32 $0x2, s4;
	s7 =	sadd.s32 s7, s5;
	s4 =	sadd.s32 $0x1D800, s5;
	v54 =	vor.u32 $0x14, v31;
	v55 =	vor.u32 $0x15, v31;
	[tilespmem:$0x1FFB0] =	vst v0;
	v0 =	vor.u32 $0x10, v31  }
0x13: {  	s9 =	smul.u32 $0xC80, s6;
	s11 =	sshrl.u32 s10, $0x1;
	s31 =	sshll.u32 s6, $0x4;
	v56 =	vor.u32 $0x16, v31;
	v57 =	vor.u32 $0x17, v31;
	[tilespmem:$0x1FFC0] =	vst v0;
	v0 =	vor.u32 $0x11, v31  }
0x14: {  	s6 =	sadd.s32 $0x19800, s7;
	s7 =	sadd.s32 s30, s1;
	v58 =	vor.u32 $0x18, v31;
	v59 =	vor.u32 $0x19, v31;
	s29 =	ssub.s32 s10, s11;
	[tilespmem:$0x1FFD0] =	vst v0;
	v0 =	vor.u32 $0x12, v31  }
0x15: {  	v60 =	vor.u32 $0x1A, v31;
	v61 =	vor.u32 $0x1B, v31;
	s8 =	sadd.s32 s8, s31;
	s10 =	simm.s32 $0x400;
	s5 =	sadd.s32 s9, s5;
	[tilespmem:$0x1FFE0] =	vst v0;
	v0 =	vor.u32 $0x13, v31  }
0x16: {  	v62 =	vor.u32 $0x1C, v31;
	v63 =	vor.u32 $0x1D, v31;
	s11 =	simm.s32 $0x8880;
	s9 =	smax.u32 s29, $0x1;
	s5 =	sadd.s32 $0x800, s5;
	[tilespmem:$0x1FFF0] =	vst v0;
	v0 =	vor.u32 $0x1E, v31  }
.LBB2_1:
0x17: {  	[tilespmem:s10], [sflag:$0x1] =	stream.linear.gather [hbm4b:s5+s3], $0x6400, $0x38;
	[tilespmem:$0x89C0] =	vst v63  }
0x18: {  	_ = 	snop  }
0x19: {  	[tilespmem:s11], [sflag:$0x2] =	stream.linear.gather [hbm4b:s4+s3], $0x80, $0x38;
	[tilespmem:$0x89C0] =	vst v63  }
0x1a: {  	_ =	swait.ge [sflag:s12], $0x80  }
0x1b: {  	[sflag:s12] =	ssyncset.done $0x0  }
0x1c: {  	v1 =	vimm.s32 $0x1;
	[sflag:s12] =	ssyncadd.s32 $0xFFFFFF80  }
0x1d: {  	v2 =	vimm.s32 $0x21;
	[tilespmem:s13], [sflag:$0x2] =	stream.linear.gather [hbm4b:s6+s3], $0x2000, $0x38;
	[tilespmem:$0x89C0] =	vst v63  }
0x1e: {  	_ =	swait.ge [sflag:s12], $0x2000  }
0x1f: {  	[sflag:s12] =	ssyncset.done $0x0  }
0x20: {  	v3 =	vimm.s32 $0x3;
	[sflag:s12] =	ssyncadd.s32 $0xFFFFE000  }
0x21: {  	v33 =	vld.idx.msk [tilespmem:v1+s11+$0x0], $0xffff  }
0x22: {  	v1 =	vimm.s32 $0x2;
	v34 =	vld.idx.msk [tilespmem:v2+s11+$0x0], $0xffff  }
0x23: {  	v2 =	vld [tilespmem:$0x1FED0];
	_ =	sdelay $0x1  }
0x24: {  	v30 =	vld.idx.msk [tilespmem:v3+s11+$0x0], $0xffff  }
0x25: {  	v3 =	vld [tilespmem:$0x1FEE0]  }
0x26: {  	v4 =	vimm.s32 $0x4;
	v29 =	vld.idx.msk [tilespmem:v1+s11+$0x0], $0xffff  }
0x27: {  	v1 =	vld.idx.msk [tilespmem:v31+s13+$0x0], $0xffff;
	_ =	sdelay $0x2  }
0x28: {  	v2 =	vld.idx.msk [tilespmem:v2+s13+$0x0], $0xffff  }
0x29: {  	v25 =	vld.idx.msk [tilespmem:v4+s11+$0x0], $0xffff  }
0x2a: {  	v4 =	vmul.f32 v1, v33;
	v1 =	vld [tilespmem:$0x1FEF0]  }
0x2b: {  	v3 =	vld.idx.msk [tilespmem:v3+s13+$0x0], $0xffff;
	_ =	sdelay $0x1  }
0x2c: {  	v6 =	vmul.f32 v2, v29;
	v2 =	vld [tilespmem:$0x1FF00]  }
0x2d: {  	v4 =	vadd.f32 v4, v34;
	_ =	sdelay $0x1  }
0x2e: {  	v4 =	vadd.f32 v6, v4;
	v6 =	vmul.f32 v3, v30;
	v3 =	vld [tilespmem:$0x1FF10];
	_ =	sdelay $0x1  }
0x2f: {  	v5 =	vld.idx.msk [tilespmem:v1+s13+$0x0], $0xffff;
	v1 =	vimm.s32 $0x5;
	_ =	sdelay $0x1  }
0x30: {  	v6 =	vadd.f32 v6, v4;
	v4 =	vld [tilespmem:$0x1FF20]  }
0x31: {  	v7 =	vld.idx.msk [tilespmem:v2+s13+$0x0], $0xffff;
	v2 =	vimm.s32 $0x6;
	_ =	sdelay $0x1  }
0x32: {  	v1 =	vld.idx.msk [tilespmem:v1+s11+$0x0], $0xffff  }
0x33: {  	v8 =	vld.idx.msk [tilespmem:v3+s13+$0x0], $0xffff;
	v3 =	vimm.s32 $0x7  }
0x34: {  	v5 =	vmul.f32 v5, v25  }
0x35: {  	v2 =	vld.idx.msk [tilespmem:v2+s11+$0x0], $0xffff  }
0x36: {  	v6 =	vadd.f32 v5, v6;
	v5 =	vld [tilespmem:$0x1FF30]  }
0x37: {  	v9 =	vld.idx.msk [tilespmem:v4+s13+$0x0], $0xffff;
	v7 =	vmul.f32 v7, v1  }
0x38: {  	v4 =	vimm.s32 $0x8;
	v3 =	vld.idx.msk [tilespmem:v3+s11+$0x0], $0xffff  }
0x39: {  	v7 =	vadd.f32 v7, v6;
	v6 =	vld [tilespmem:$0x1FF40]  }
0x3a: {  	v8 =	vmul.f32 v8, v2;
	_ =	sdelay $0x1  }
0x3b: {  	v8 =	vadd.f32 v8, v7;
	v7 =	vld [tilespmem:$0x1FF50]  }
0x3c: {  	v4 =	vld.idx.msk [tilespmem:v4+s11+$0x0], $0xffff;
	v9 =	vmul.f32 v9, v3  }
0x3d: {  	v10 =	vld.idx.msk [tilespmem:v5+s13+$0x0], $0xffff;
	v5 =	vimm.s32 $0x9  }
0x3e: {  	v9 =	vadd.f32 v9, v8;
	v8 =	vld [tilespmem:$0x1FF60];
	_ =	sdelay $0x1  }
0x3f: {  	v11 =	vld.idx.msk [tilespmem:v6+s13+$0x0], $0xffff;
	v6 =	vimm.s32 $0xA;
	_ =	sdelay $0x1  }
0x40: {  	v5 =	vld.idx.msk [tilespmem:v5+s11+$0x0], $0xffff;
	v10 =	vmul.f32 v10, v4  }
0x41: {  	v12 =	vld.idx.msk [tilespmem:v7+s13+$0x0], $0xffff;
	v7 =	vimm.s32 $0xB  }
0x42: {  	v10 =	vadd.f32 v10, v9;
	v9 =	vld [tilespmem:$0x1FF70]  }
0x43: {  	v6 =	vld.idx.msk [tilespmem:v6+s11+$0x0], $0xffff  }
0x44: {  	v13 =	vld.idx.msk [tilespmem:v8+s13+$0x0], $0xffff;
	v8 =	vimm.s32 $0xC;
	_ =	sdelay $0x1  }
0x45: {  	v11 =	vmul.f32 v11, v5;
	v7 =	vld.idx.msk [tilespmem:v7+s11+$0x0], $0xffff;
	_ =	sdelay $0x1  }
0x46: {  	v11 =	vadd.f32 v11, v10;
	v10 =	vld [tilespmem:$0x1FF80]  }
0x47: {  	v8 =	vld.idx.msk [tilespmem:v8+s11+$0x0], $0xffff;
	v12 =	vmul.f32 v12, v6  }
0x48: {  	v14 =	vld.idx.msk [tilespmem:v9+s13+$0x0], $0xffff  }
0x49: {  	v12 =	vadd.f32 v12, v11;
	v11 =	vld [tilespmem:$0x1FF90];
	v13 =	vmul.f32 v13, v7;
	_ =	sdelay $0x1  }
0x4a: {  	v13 =	vadd.f32 v13, v12;
	v12 =	vld [tilespmem:$0x1FFA0];
	_ =	sdelay $0x1  }
0x4b: {  	v9 =	vimm.s32 $0xD;
	v14 =	vmul.f32 v14, v8  }
0x4c: {  	v15 =	vld.idx.msk [tilespmem:v10+s13+$0x0], $0xffff  }
0x4d: {  	v10 =	vimm.s32 $0xE;
	v14 =	vadd.f32 v14, v13;
	v13 =	vld [tilespmem:$0x1FFB0];
	_ =	sdelay $0x1  }
0x4e: {  	v16 =	vld.idx.msk [tilespmem:v11+s13+$0x0], $0xffff;
	v11 =	vimm.s32 $0xF  }
0x4f: {  	v9 =	vld.idx.msk [tilespmem:v9+s11+$0x0], $0xffff  }
0x50: {  	v17 =	vld.idx.msk [tilespmem:v12+s13+$0x0], $0xffff;
	v12 =	vimm.s32 $0x10  }
0x51: {  	v10 =	vld.idx.msk [tilespmem:v10+s11+$0x0], $0xffff;
	_ =	sdelay $0x1  }
0x52: {  	v11 =	vld.idx.msk [tilespmem:v11+s11+$0x0], $0xffff  }
0x53: {  	v15 =	vmul.f32 v15, v9;
	v18 =	vld.idx.msk [tilespmem:v13+s13+$0x0], $0xffff  }
0x54: {  	v12 =	vld.idx.msk [tilespmem:v12+s11+$0x0], $0xffff  }
0x55: {  	v15 =	vadd.f32 v15, v14;
	v14 =	vld [tilespmem:$0x1FFC0];
	v16 =	vmul.f32 v16, v10;
	_ =	sdelay $0x1  }
0x56: {  	v16 =	vadd.f32 v16, v15;
	v15 =	vld [tilespmem:$0x1FFD0];
	v17 =	vmul.f32 v17, v11;
	_ =	sdelay $0x1  }
0x57: {  	v13 =	vimm.s32 $0x11;
	v17 =	vadd.f32 v17, v16;
	v16 =	vld [tilespmem:$0x1FFE0];
	v18 =	vmul.f32 v18, v12;
	_ =	sdelay $0x1  }
0x58: {  	v18 =	vadd.f32 v18, v17;
	v17 =	vld [tilespmem:$0x1FFF0];
	_ =	sdelay $0x1  }
0x59: {  	v19 =	vld.idx.msk [tilespmem:v14+s13+$0x0], $0xffff;
	v14 =	vimm.s32 $0x12  }
0x5a: {  	v13 =	vld.idx.msk [tilespmem:v13+s11+$0x0], $0xffff  }
0x5b: {  	v20 =	vld.idx.msk [tilespmem:v15+s13+$0x0], $0xffff;
	v15 =	vimm.s32 $0x13;
	_ =	sdelay $0x1  }
0x5c: {  	v21 =	vld.idx.msk [tilespmem:v16+s13+$0x0], $0xffff;
	v16 =	vimm.s32 $0x14  }
0x5d: {  	v14 =	vld.idx.msk [tilespmem:v14+s11+$0x0], $0xffff  }
0x5e: {  	v19 =	vmul.f32 v19, v13;
	v22 =	vld.idx.msk [tilespmem:v17+s13+$0x0], $0xffff;
	v17 =	vimm.s32 $0x15  }
0x5f: {  	v15 =	vld.idx.msk [tilespmem:v15+s11+$0x0], $0xffff  }
0x60: {  	v19 =	vadd.f32 v19, v18;
	v18 =	vimm.s32 $0x16  }
0x61: {  	v16 =	vld.idx.msk [tilespmem:v16+s11+$0x0], $0xffff  }
0x62: {  	v23 =	vld.idx.msk [tilespmem:v54+s13+$0x0], $0xffff;
	v20 =	vmul.f32 v20, v14  }
0x63: {  	v17 =	vld.idx.msk [tilespmem:v17+s11+$0x0], $0xffff  }
0x64: {  	v24 =	vld.idx.msk [tilespmem:v55+s13+$0x0], $0xffff;
	v20 =	vadd.f32 v20, v19;
	v19 =	vimm.s32 $0x17;
	v21 =	vmul.f32 v21, v15  }
0x65: {  	v18 =	vld.idx.msk [tilespmem:v18+s11+$0x0], $0xffff  }
0x66: {  	v21 =	vadd.f32 v21, v20;
	v20 =	vimm.s32 $0x18;
	v22 =	vmul.f32 v22, v16;
	_ =	sdelay $0x1  }
0x67: {  	v26 =	vld.idx.msk [tilespmem:v56+s13+$0x0], $0xffff;
	v22 =	vadd.f32 v22, v21;
	v21 =	vimm.s32 $0x19;
	v23 =	vmul.f32 v23, v17  }
0x68: {  	v19 =	vld.idx.msk [tilespmem:v19+s11+$0x0], $0xffff  }
0x69: {  	v27 =	vld.idx.msk [tilespmem:v57+s13+$0x0], $0xffff;
	v24 =	vmul.f32 v24, v18;
	v23 =	vadd.f32 v23, v22;
	v22 =	vimm.s32 $0x1A  }
0x6a: {  	v20 =	vld.idx.msk [tilespmem:v20+s11+$0x0], $0xffff  }
0x6b: {  	v28 =	vld.idx.msk [tilespmem:v58+s13+$0x0], $0xffff;
	v24 =	vadd.f32 v24, v23;
	v23 =	vimm.s32 $0x1B  }
0x6c: {  	v21 =	vld.idx.msk [tilespmem:v21+s11+$0x0], $0xffff  }
0x6d: {  	v32 =	vld.idx.msk [tilespmem:v59+s13+$0x0], $0xffff;
	v26 =	vmul.f32 v26, v19  }
0x6e: {  	v22 =	vld.idx.msk [tilespmem:v22+s11+$0x0], $0xffff  }
0x6f: {  	v35 =	vld.idx.msk [tilespmem:v60+s13+$0x0], $0xffff;
	v27 =	vmul.f32 v27, v20;
	v26 =	vadd.f32 v26, v24;
	v24 =	vimm.s32 $0x1C  }
0x70: {  	v23 =	vld.idx.msk [tilespmem:v23+s11+$0x0], $0xffff  }
0x71: {  	v27 =	vadd.f32 v27, v26;
	v26 =	vimm.s32 $0x1D;
	v28 =	vmul.f32 v28, v21;
	_ =	sdelay $0x1  }
0x72: {  	v36 =	vld.idx.msk [tilespmem:v61+s13+$0x0], $0xffff;
	v28 =	vadd.f32 v28, v27;
	v27 =	vimm.s32 $0x1E;
	v32 =	vmul.f32 v32, v22  }
0x73: {  	v40 =	vimm.s32 $0x1F;
	v24 =	vld.idx.msk [tilespmem:v24+s11+$0x0], $0xffff  }
0x74: {  	v37 =	vld.idx.msk [tilespmem:v62+s13+$0x0], $0xffff;
	v28 =	vadd.f32 v32, v28;
	v35 =	vmul.f32 v35, v23  }
0x75: {  	v38 =	vor.u32 $0x1F, v31;
	v26 =	vld.idx.msk [tilespmem:v26+s11+$0x0], $0xffff  }
0x76: {  	v39 =	vld.idx.msk [tilespmem:v63+s13+$0x0], $0xffff;
	v35 =	vadd.f32 v35, v28;
	v28 =	vimm.s32 $0x20  }
0x77: {  	v27 =	vld.idx.msk [tilespmem:v27+s11+$0x0], $0xffff  }
0x78: {  	v32 =	vld.idx.msk [tilespmem:v40+s11+$0x0], $0xffff;
	v36 =	vmul.f32 v36, v24  }
0x79: {  	v40 =	vld.idx.msk [tilespmem:v0+s13+$0x0], $0xffff  }
0x7a: {  	v42 =	vld.idx.msk [tilespmem:v38+s13+$0x0], $0xffff;
	v35 =	vadd.f32 v36, v35;
	v41 =	vmul.f32 v37, v26  }
0x7b: {  	v28 =	vld.idx.msk [tilespmem:v28+s11+$0x0], $0xffff  }
0x7c: {  	v35 =	vadd.f32 v41, v35;
	v43 =	vmul.f32 v39, v27;
	_ =	sdelay $0x1  }
0x7d: {  	v44 =	vmul.f32 v40, v32;
	v35 =	vadd.f32 v43, v35;
	_ =	sdelay $0x1  }
0x7e: {  	v35 =	vadd.f32 v44, v35;
	v45 =	vmul.f32 v42, v28;
	_ =	sdelay $0x1  }
0x7f: {  	v46 =	vor.u32 $0x800, v31;
	v35 =	vadd.f32 v45, v35;
	_ =	sdelay $0x1  }
0x80: {  	v47 =	vor.u32 $0x801, v31;
	v35 =	vmul.f32 $4.999999890e-03, v35;
	_ =	sdelay $0x1  }
0x81: {  	v48 =	vor.u32 $0x802, v31;
	[tilespmem:$0x8900] =	vst v35  }
0x82: {  	v36 =	vld.idx.msk [tilespmem:v46+s13+$0x0], $0xffff  }
0x83: {  	v49 =	vor.u32 $0x803, v31  }
0x84: {  	v37 =	vld.idx.msk [tilespmem:v47+s13+$0x0], $0xffff  }
0x85: {  	v50 =	vor.u32 $0x804, v31  }
0x86: {  	v35 =	vld.idx.msk [tilespmem:v48+s13+$0x0], $0xffff  }
0x87: {  	v51 =	vor.u32 $0x805, v31;
	v36 =	vmul.f32 v36, v33  }
0x88: {  	v38 =	vld.idx.msk [tilespmem:v49+s13+$0x0], $0xffff  }
0x89: {  	v41 =	vor.u32 $0x806, v31;
	v37 =	vmul.f32 v37, v29;
	v36 =	vadd.f32 v36, v34  }
0x8a: {  	v39 =	vld.idx.msk [tilespmem:v50+s13+$0x0], $0xffff  }
0x8b: {  	v52 =	vor.u32 $0x807, v31;
	v35 =	vmul.f32 v35, v30;
	v36 =	vadd.f32 v37, v36  }
0x8c: {  	v40 =	vld.idx.msk [tilespmem:v51+s13+$0x0], $0xffff  }
0x8d: {  	v44 =	vor.u32 $0x808, v31;
	v53 =	vmul.f32 v38, v25;
	v35 =	vadd.f32 v35, v36  }
0x8e: {  	v41 =	vld.idx.msk [tilespmem:v41+s13+$0x0], $0xffff  }
0x8f: {  	v46 =	vor.u32 $0x809, v31;
	v45 =	vmul.f32 v39, v1;
	v35 =	vadd.f32 v53, v35  }
0x90: {  	v37 =	vld.idx.msk [tilespmem:v52+s13+$0x0], $0xffff  }
0x91: {  	v48 =	vor.u32 $0x80A, v31;
	v47 =	vmul.f32 v40, v2;
	v35 =	vadd.f32 v45, v35  }
0x92: {  	v38 =	vld.idx.msk [tilespmem:v44+s13+$0x0], $0xffff  }
0x93: {  	v50 =	vor.u32 $0x80B, v31;
	v49 =	vmul.f32 v41, v3;
	v35 =	vadd.f32 v47, v35  }
0x94: {  	v39 =	vld.idx.msk [tilespmem:v46+s13+$0x0], $0xffff  }
0x95: {  	v52 =	vor.u32 $0x80C, v31;
	v51 =	vmul.f32 v37, v4;
	v35 =	vadd.f32 v49, v35  }
0x96: {  	v40 =	vld.idx.msk [tilespmem:v48+s13+$0x0], $0xffff  }
0x97: {  	v44 =	vor.u32 $0x80D, v31;
	v53 =	vmul.f32 v38, v5;
	v35 =	vadd.f32 v51, v35  }
0x98: {  	v41 =	vld.idx.msk [tilespmem:v50+s13+$0x0], $0xffff  }
0x99: {  	v46 =	vor.u32 $0x80E, v31;
	v45 =	vmul.f32 v39, v6;
	v35 =	vadd.f32 v53, v35  }
0x9a: {  	v37 =	vld.idx.msk [tilespmem:v52+s13+$0x0], $0xffff  }
0x9b: {  	v48 =	vor.u32 $0x80F, v31;
	v47 =	vmul.f32 v40, v7;
	v35 =	vadd.f32 v45, v35  }
0x9c: {  	v38 =	vld.idx.msk [tilespmem:v44+s13+$0x0], $0xffff  }
0x9d: {  	v50 =	vor.u32 $0x810, v31;
	v49 =	vmul.f32 v41, v8;
	v35 =	vadd.f32 v47, v35  }
0x9e: {  	v39 =	vld.idx.msk [tilespmem:v46+s13+$0x0], $0xffff  }
0x9f: {  	v52 =	vor.u32 $0x811, v31;
	v51 =	vmul.f32 v37, v9;
	v35 =	vadd.f32 v49, v35  }
0xa0: {  	v40 =	vld.idx.msk [tilespmem:v48+s13+$0x0], $0xffff  }
0xa1: {  	v44 =	vor.u32 $0x812, v31;
	v53 =	vmul.f32 v38, v10;
	v35 =	vadd.f32 v51, v35  }
0xa2: {  	v41 =	vld.idx.msk [tilespmem:v50+s13+$0x0], $0xffff  }
0xa3: {  	v46 =	vor.u32 $0x813, v31;
	v45 =	vmul.f32 v39, v11;
	v35 =	vadd.f32 v53, v35  }
0xa4: {  	v37 =	vld.idx.msk [tilespmem:v52+s13+$0x0], $0xffff  }
0xa5: {  	v48 =	vor.u32 $0x814, v31;
	v47 =	vmul.f32 v40, v12;
	v35 =	vadd.f32 v45, v35  }
0xa6: {  	v38 =	vld.idx.msk [tilespmem:v44+s13+$0x0], $0xffff  }
0xa7: {  	v50 =	vor.u32 $0x815, v31;
	v49 =	vmul.f32 v41, v13;
	v35 =	vadd.f32 v47, v35  }
0xa8: {  	v39 =	vld.idx.msk [tilespmem:v46+s13+$0x0], $0xffff  }
0xa9: {  	v52 =	vor.u32 $0x816, v31;
	v51 =	vmul.f32 v37, v14;
	v35 =	vadd.f32 v49, v35  }
0xaa: {  	v40 =	vld.idx.msk [tilespmem:v48+s13+$0x0], $0xffff  }
0xab: {  	v44 =	vor.u32 $0x817, v31;
	v53 =	vmul.f32 v38, v15;
	v35 =	vadd.f32 v51, v35  }
0xac: {  	v41 =	vld.idx.msk [tilespmem:v50+s13+$0x0], $0xffff  }
0xad: {  	v46 =	vor.u32 $0x818, v31;
	v45 =	vmul.f32 v39, v16;
	v35 =	vadd.f32 v53, v35  }
0xae: {  	v37 =	vld.idx.msk [tilespmem:v52+s13+$0x0], $0xffff  }
0xaf: {  	v48 =	vor.u32 $0x819, v31;
	v47 =	vmul.f32 v40, v17;
	v35 =	vadd.f32 v45, v35  }
0xb0: {  	v38 =	vld.idx.msk [tilespmem:v44+s13+$0x0], $0xffff  }
0xb1: {  	v50 =	vor.u32 $0x81A, v31;
	v49 =	vmul.f32 v41, v18;
	v35 =	vadd.f32 v47, v35  }
0xb2: {  	v39 =	vld.idx.msk [tilespmem:v46+s13+$0x0], $0xffff  }
0xb3: {  	v52 =	vor.u32 $0x81B, v31;
	v51 =	vmul.f32 v37, v19;
	v35 =	vadd.f32 v49, v35  }
0xb4: {  	v40 =	vld.idx.msk [tilespmem:v48+s13+$0x0], $0xffff  }
0xb5: {  	v44 =	vor.u32 $0x81C, v31;
	v53 =	vmul.f32 v38, v20;
	v35 =	vadd.f32 v51, v35  }
0xb6: {  	v41 =	vld.idx.msk [tilespmem:v50+s13+$0x0], $0xffff  }
0xb7: {  	v46 =	vor.u32 $0x81D, v31;
	v45 =	vmul.f32 v39, v21;
	v35 =	vadd.f32 v53, v35  }
0xb8: {  	v37 =	vld.idx.msk [tilespmem:v52+s13+$0x0], $0xffff  }
0xb9: {  	v48 =	vor.u32 $0x81E, v31;
	v47 =	vmul.f32 v40, v22;
	v35 =	vadd.f32 v45, v35  }
0xba: {  	v38 =	vld.idx.msk [tilespmem:v44+s13+$0x0], $0xffff  }
0xbb: {  	v50 =	vor.u32 $0x81F, v31;
	v49 =	vmul.f32 v41, v23;
	v35 =	vadd.f32 v47, v35  }
0xbc: {  	v39 =	vld.idx.msk [tilespmem:v46+s13+$0x0], $0xffff  }
0xbd: {  	v51 =	vmul.f32 v37, v24;
	v35 =	vadd.f32 v49, v35  }
0xbe: {  	v52 =	vld.idx.msk [tilespmem:v48+s13+$0x0], $0xffff  }
0xbf: {  	v53 =	vmul.f32 v38, v26;
	v35 =	vadd.f32 v51, v35  }
0xc0: {  	v40 =	vld.idx.msk [tilespmem:v50+s13+$0x0], $0xffff  }
0xc1: {  	v41 =	vmul.f32 v39, v27;
	v35 =	vadd.f32 v53, v35;
	_ =	sdelay $0x1  }
0xc2: {  	v42 =	vmul.f32 v52, v32;
	v35 =	vadd.f32 v41, v35;
	_ =	sdelay $0x1  }
0xc3: {  	v43 =	vmul.f32 v40, v28;
	v35 =	vadd.f32 v42, v35;
	_ =	sdelay $0x1  }
0xc4: {  	v44 =	vor.u32 $0x1000, v31;
	v35 =	vadd.f32 v43, v35;
	_ =	sdelay $0x1  }
0xc5: {  	v45 =	vor.u32 $0x1001, v31;
	v35 =	vmul.f32 $4.999999890e-03, v35;
	_ =	sdelay $0x1  }
0xc6: {  	v46 =	vor.u32 $0x1002, v31;
	[tilespmem:$0x8910] =	vst v35  }
0xc7: {  	v36 =	vld.idx.msk [tilespmem:v44+s13+$0x0], $0xffff  }
0xc8: {  	v47 =	vor.u32 $0x1003, v31  }
0xc9: {  	v37 =	vld.idx.msk [tilespmem:v45+s13+$0x0], $0xffff  }
0xca: {  	v48 =	vor.u32 $0x1004, v31  }
0xcb: {  	v35 =	vld.idx.msk [tilespmem:v46+s13+$0x0], $0xffff  }
0xcc: {  	v49 =	vor.u32 $0x1005, v31;
	v36 =	vmul.f32 v36, v33  }
0xcd: {  	v38 =	vld.idx.msk [tilespmem:v47+s13+$0x0], $0xffff  }
0xce: {  	v50 =	vor.u32 $0x1006, v31;
	v37 =	vmul.f32 v37, v29;
	v36 =	vadd.f32 v36, v34  }
0xcf: {  	v39 =	vld.idx.msk [tilespmem:v48+s13+$0x0], $0xffff  }
0xd0: {  	v51 =	vor.u32 $0x1007, v31;
	v35 =	vmul.f32 v35, v30;
	v36 =	vadd.f32 v37, v36  }
0xd1: {  	v40 =	vld.idx.msk [tilespmem:v49+s13+$0x0], $0xffff  }
0xd2: {  	v53 =	vor.u32 $0x1008, v31;
	v52 =	vmul.f32 v38, v25;
	v35 =	vadd.f32 v35, v36  }
0xd3: {  	v41 =	vld.idx.msk [tilespmem:v50+s13+$0x0], $0xffff  }
0xd4: {  	v45 =	vor.u32 $0x1009, v31;
	v44 =	vmul.f32 v39, v1;
	v35 =	vadd.f32 v52, v35  }
0xd5: {  	v37 =	vld.idx.msk [tilespmem:v51+s13+$0x0], $0xffff  }
0xd6: {  	v47 =	vor.u32 $0x100A, v31;
	v46 =	vmul.f32 v40, v2;
	v35 =	vadd.f32 v44, v35  }
0xd7: {  	v38 =	vld.idx.msk [tilespmem:v53+s13+$0x0], $0xffff  }
0xd8: {  	v49 =	vor.u32 $0x100B, v31;
	v48 =	vmul.f32 v41, v3;
	v35 =	vadd.f32 v46, v35  }
0xd9: {  	v39 =	vld.idx.msk [tilespmem:v45+s13+$0x0], $0xffff  }
0xda: {  	v51 =	vor.u32 $0x100C, v31;
	v50 =	vmul.f32 v37, v4;
	v35 =	vadd.f32 v48, v35  }
0xdb: {  	v40 =	vld.idx.msk [tilespmem:v47+s13+$0x0], $0xffff  }
0xdc: {  	v53 =	vor.u32 $0x100D, v31;
	v52 =	vmul.f32 v38, v5;
	v35 =	vadd.f32 v50, v35  }
0xdd: {  	v41 =	vld.idx.msk [tilespmem:v49+s13+$0x0], $0xffff  }
0xde: {  	v45 =	vor.u32 $0x100E, v31;
	v44 =	vmul.f32 v39, v6;
	v35 =	vadd.f32 v52, v35  }
0xdf: {  	v37 =	vld.idx.msk [tilespmem:v51+s13+$0x0], $0xffff  }
0xe0: {  	v47 =	vor.u32 $0x100F, v31;
	v46 =	vmul.f32 v40, v7;
	v35 =	vadd.f32 v44, v35  }
0xe1: {  	v38 =	vld.idx.msk [tilespmem:v53+s13+$0x0], $0xffff  }
0xe2: {  	v49 =	vor.u32 $0x1010, v31;
	v48 =	vmul.f32 v41, v8;
	v35 =	vadd.f32 v46, v35  }
0xe3: {  	v39 =	vld.idx.msk [tilespmem:v45+s13+$0x0], $0xffff  }
0xe4: {  	v51 =	vor.u32 $0x1011, v31;
	v50 =	vmul.f32 v37, v9;
	v35 =	vadd.f32 v48, v35  }
0xe5: {  	v40 =	vld.idx.msk [tilespmem:v47+s13+$0x0], $0xffff  }
0xe6: {  	v53 =	vor.u32 $0x1012, v31;
	v52 =	vmul.f32 v38, v10;
	v35 =	vadd.f32 v50, v35  }
0xe7: {  	v41 =	vld.idx.msk [tilespmem:v49+s13+$0x0], $0xffff  }
0xe8: {  	v45 =	vor.u32 $0x1013, v31;
	v44 =	vmul.f32 v39, v11;
	v35 =	vadd.f32 v52, v35  }
0xe9: {  	v37 =	vld.idx.msk [tilespmem:v51+s13+$0x0], $0xffff  }
0xea: {  	v47 =	vor.u32 $0x1014, v31;
	v46 =	vmul.f32 v40, v12;
	v35 =	vadd.f32 v44, v35  }
0xeb: {  	v38 =	vld.idx.msk [tilespmem:v53+s13+$0x0], $0xffff  }
0xec: {  	v49 =	vor.u32 $0x1015, v31;
	v48 =	vmul.f32 v41, v13;
	v35 =	vadd.f32 v46, v35  }
0xed: {  	v39 =	vld.idx.msk [tilespmem:v45+s13+$0x0], $0xffff  }
0xee: {  	v51 =	vor.u32 $0x1016, v31;
	v50 =	vmul.f32 v37, v14;
	v35 =	vadd.f32 v48, v35  }
0xef: {  	v40 =	vld.idx.msk [tilespmem:v47+s13+$0x0], $0xffff  }
0xf0: {  	v53 =	vor.u32 $0x1017, v31;
	v52 =	vmul.f32 v38, v15;
	v35 =	vadd.f32 v50, v35  }
0xf1: {  	v41 =	vld.idx.msk [tilespmem:v49+s13+$0x0], $0xffff  }
0xf2: {  	v45 =	vor.u32 $0x1018, v31;
	v44 =	vmul.f32 v39, v16;
	v35 =	vadd.f32 v52, v35  }
0xf3: {  	v37 =	vld.idx.msk [tilespmem:v51+s13+$0x0], $0xffff  }
0xf4: {  	v47 =	vor.u32 $0x1019, v31;
	v46 =	vmul.f32 v40, v17;
	v35 =	vadd.f32 v44, v35  }
0xf5: {  	v38 =	vld.idx.msk [tilespmem:v53+s13+$0x0], $0xffff  }
0xf6: {  	v49 =	vor.u32 $0x101A, v31;
	v48 =	vmul.f32 v41, v18;
	v35 =	vadd.f32 v46, v35  }
0xf7: {  	v39 =	vld.idx.msk [tilespmem:v45+s13+$0x0], $0xffff  }
0xf8: {  	v51 =	vor.u32 $0x101B, v31;
	v50 =	vmul.f32 v37, v19;
	v35 =	vadd.f32 v48, v35  }
0xf9: {  	v40 =	vld.idx.msk [tilespmem:v47+s13+$0x0], $0xffff  }
0xfa: {  	v53 =	vor.u32 $0x101C, v31;
	v52 =	vmul.f32 v38, v20;
	v35 =	vadd.f32 v50, v35  }
0xfb: {  	v41 =	vld.idx.msk [tilespmem:v49+s13+$0x0], $0xffff  }
0xfc: {  	v43 =	vmul.f32 v39, v21;
	v44 =	vor.u32 $0x101D, v31;
	v35 =	vadd.f32 v52, v35  }
0xfd: {  	v37 =	vld.idx.msk [tilespmem:v51+s13+$0x0], $0xffff  }
0xfe: {  	v45 =	vmul.f32 v40, v22;
	v46 =	vor.u32 $0x101E, v31;
	v35 =	vadd.f32 v43, v35  }
0xff: {  	v38 =	vld.idx.msk [tilespmem:v53+s13+$0x0], $0xffff  }
0x100: {  	v47 =	vmul.f32 v41, v23;
	v48 =	vor.u32 $0x101F, v31;
	v35 =	vadd.f32 v45, v35  }
0x101: {  	v39 =	vld.idx.msk [tilespmem:v44+s13+$0x0], $0xffff  }
0x102: {  	v49 =	vmul.f32 v37, v24;
	v35 =	vadd.f32 v47, v35  }
0x103: {  	v50 =	vld.idx.msk [tilespmem:v46+s13+$0x0], $0xffff  }
0x104: {  	v51 =	vmul.f32 v38, v26;
	v35 =	vadd.f32 v49, v35  }
0x105: {  	v52 =	vld.idx.msk [tilespmem:v48+s13+$0x0], $0xffff  }
0x106: {  	v53 =	vmul.f32 v39, v27;
	v35 =	vadd.f32 v51, v35;
	_ =	sdelay $0x1  }
0x107: {  	v40 =	vmul.f32 v50, v32;
	v35 =	vadd.f32 v53, v35;
	_ =	sdelay $0x1  }
0x108: {  	v41 =	vmul.f32 v52, v28;
	v35 =	vadd.f32 v40, v35;
	_ =	sdelay $0x1  }
0x109: {  	v42 =	vor.u32 $0x1800, v31;
	v35 =	vadd.f32 v41, v35;
	_ =	sdelay $0x1  }
0x10a: {  	v43 =	vor.u32 $0x1801, v31;
	v35 =	vmul.f32 $4.999999890e-03, v35;
	_ =	sdelay $0x1  }
0x10b: {  	v44 =	vor.u32 $0x1802, v31;
	[tilespmem:$0x8920] =	vst v35  }
0x10c: {  	v36 =	vld.idx.msk [tilespmem:v42+s13+$0x0], $0xffff  }
0x10d: {  	v45 =	vor.u32 $0x1803, v31  }
0x10e: {  	v37 =	vld.idx.msk [tilespmem:v43+s13+$0x0], $0xffff  }
0x10f: {  	v46 =	vor.u32 $0x1804, v31  }
0x110: {  	v35 =	vld.idx.msk [tilespmem:v44+s13+$0x0], $0xffff  }
0x111: {  	v47 =	vor.u32 $0x1805, v31;
	v33 =	vmul.f32 v36, v33  }
0x112: {  	v38 =	vld.idx.msk [tilespmem:v45+s13+$0x0], $0xffff  }
0x113: {  	v48 =	vor.u32 $0x1806, v31;
	v29 =	vmul.f32 v37, v29;
	v33 =	vadd.f32 v33, v34  }
0x114: {  	v49 =	vld.idx.msk [tilespmem:v46+s13+$0x0], $0xffff  }
0x115: {  	v50 =	vor.u32 $0x1807, v31;
	v30 =	vmul.f32 v35, v30;
	v29 =	vadd.f32 v29, v33  }
0x116: {  	v51 =	vld.idx.msk [tilespmem:v47+s13+$0x0], $0xffff  }
0x117: {  	v25 =	vmul.f32 v38, v25;
	v29 =	vadd.f32 v30, v29;
	v30 =	vor.u32 $0x1808, v31  }
0x118: {  	v34 =	vld.idx.msk [tilespmem:v48+s13+$0x0], $0xffff  }
0x119: {  	v1 =	vmul.f32 v49, v1;
	v25 =	vadd.f32 v25, v29;
	v29 =	vor.u32 $0x1809, v31  }
0x11a: {  	v33 =	vld.idx.msk [tilespmem:v50+s13+$0x0], $0xffff  }
0x11b: {  	v2 =	vmul.f32 v51, v2;
	v1 =	vadd.f32 v1, v25;
	v25 =	vor.u32 $0x180A, v31  }
0x11c: {  	v30 =	vld.idx.msk [tilespmem:v30+s13+$0x0], $0xffff  }
0x11d: {  	v1 =	vadd.f32 v2, v1;
	v2 =	vmul.f32 v34, v3;
	v3 =	vor.u32 $0x180B, v31  }
0x11e: {  	v29 =	vld.idx.msk [tilespmem:v29+s13+$0x0], $0xffff  }
0x11f: {  	v1 =	vadd.f32 v2, v1;
	v2 =	vmul.f32 v33, v4;
	v4 =	vor.u32 $0x180C, v31  }
0x120: {  	v25 =	vld.idx.msk [tilespmem:v25+s13+$0x0], $0xffff  }
0x121: {  	v1 =	vadd.f32 v2, v1;
	v2 =	vmul.f32 v30, v5;
	v5 =	vor.u32 $0x180D, v31  }
0x122: {  	v3 =	vld.idx.msk [tilespmem:v3+s13+$0x0], $0xffff  }
0x123: {  	v1 =	vadd.f32 v2, v1;
	v2 =	vmul.f32 v29, v6;
	v6 =	vor.u32 $0x180E, v31  }
0x124: {  	v4 =	vld.idx.msk [tilespmem:v4+s13+$0x0], $0xffff  }
0x125: {  	v1 =	vadd.f32 v2, v1;
	v2 =	vmul.f32 v25, v7;
	v7 =	vor.u32 $0x180F, v31  }
0x126: {  	v5 =	vld.idx.msk [tilespmem:v5+s13+$0x0], $0xffff  }
0x127: {  	v1 =	vadd.f32 v2, v1;
	v2 =	vmul.f32 v3, v8;
	v3 =	vor.u32 $0x1810, v31  }
0x128: {  	v6 =	vld.idx.msk [tilespmem:v6+s13+$0x0], $0xffff  }
0x129: {  	v1 =	vadd.f32 v2, v1;
	v2 =	vmul.f32 v4, v9;
	v4 =	vor.u32 $0x1811, v31  }
0x12a: {  	v7 =	vld.idx.msk [tilespmem:v7+s13+$0x0], $0xffff  }
0x12b: {  	v1 =	vadd.f32 v2, v1;
	v2 =	vmul.f32 v5, v10;
	v5 =	vor.u32 $0x1812, v31  }
0x12c: {  	v3 =	vld.idx.msk [tilespmem:v3+s13+$0x0], $0xffff  }
0x12d: {  	v1 =	vadd.f32 v2, v1;
	v2 =	vmul.f32 v6, v11;
	v6 =	vor.u32 $0x1813, v31  }
0x12e: {  	v4 =	vld.idx.msk [tilespmem:v4+s13+$0x0], $0xffff  }
0x12f: {  	v1 =	vadd.f32 v2, v1;
	v2 =	vmul.f32 v7, v12;
	v7 =	vor.u32 $0x1814, v31  }
0x130: {  	v5 =	vld.idx.msk [tilespmem:v5+s13+$0x0], $0xffff  }
0x131: {  	v1 =	vadd.f32 v2, v1;
	v2 =	vmul.f32 v3, v13;
	v3 =	vor.u32 $0x1815, v31  }
0x132: {  	v6 =	vld.idx.msk [tilespmem:v6+s13+$0x0], $0xffff  }
0x133: {  	v1 =	vadd.f32 v2, v1;
	v2 =	vmul.f32 v4, v14;
	v4 =	vor.u32 $0x1816, v31  }
0x134: {  	v7 =	vld.idx.msk [tilespmem:v7+s13+$0x0], $0xffff  }
0x135: {  	v1 =	vadd.f32 v2, v1;
	v2 =	vmul.f32 v5, v15;
	v5 =	vor.u32 $0x1817, v31  }
0x136: {  	v3 =	vld.idx.msk [tilespmem:v3+s13+$0x0], $0xffff  }
0x137: {  	v1 =	vadd.f32 v2, v1;
	v2 =	vmul.f32 v6, v16;
	v6 =	vor.u32 $0x1818, v31  }
0x138: {  	v4 =	vld.idx.msk [tilespmem:v4+s13+$0x0], $0xffff  }
0x139: {  	v1 =	vadd.f32 v2, v1;
	v2 =	vmul.f32 v7, v17;
	v7 =	vor.u32 $0x1819, v31  }
0x13a: {  	v5 =	vld.idx.msk [tilespmem:v5+s13+$0x0], $0xffff  }
0x13b: {  	v1 =	vadd.f32 v2, v1;
	v2 =	vmul.f32 v3, v18;
	v3 =	vor.u32 $0x181A, v31  }
0x13c: {  	v6 =	vld.idx.msk [tilespmem:v6+s13+$0x0], $0xffff  }
0x13d: {  	v1 =	vadd.f32 v2, v1;
	v2 =	vmul.f32 v4, v19;
	v4 =	vor.u32 $0x181B, v31  }
0x13e: {  	v7 =	vld.idx.msk [tilespmem:v7+s13+$0x0], $0xffff  }
0x13f: {  	v1 =	vadd.f32 v2, v1;
	v2 =	vmul.f32 v5, v20;
	v5 =	vor.u32 $0x181C, v31  }
0x140: {  	v3 =	vld.idx.msk [tilespmem:v3+s13+$0x0], $0xffff  }
0x141: {  	v1 =	vadd.f32 v2, v1;
	v2 =	vmul.f32 v6, v21;
	v6 =	vor.u32 $0x181D, v31  }
0x142: {  	v4 =	vld.idx.msk [tilespmem:v4+s13+$0x0], $0xffff  }
0x143: {  	v1 =	vadd.f32 v2, v1;
	v2 =	vmul.f32 v7, v22;
	v7 =	vor.u32 $0x181E, v31  }
0x144: {  	v5 =	vld.idx.msk [tilespmem:v5+s13+$0x0], $0xffff  }
0x145: {  	v1 =	vadd.f32 v2, v1;
	v2 =	vmul.f32 v3, v23;
	v3 =	vor.u32 $0x181F, v31  }
0x146: {  	v6 =	vld.idx.msk [tilespmem:v6+s13+$0x0], $0xffff  }
0x147: {  	v1 =	vadd.f32 v2, v1;
	v2 =	vmul.f32 v4, v24  }
0x148: {  	v4 =	vld.idx.msk [tilespmem:v7+s13+$0x0], $0xffff  }
0x149: {  	v1 =	vadd.f32 v2, v1;
	v2 =	vmul.f32 v5, v26  }
0x14a: {  	v3 =	vld.idx.msk [tilespmem:v3+s13+$0x0], $0xffff  }
0x14b: {  	v1 =	vadd.f32 v2, v1;
	v2 =	vmul.f32 v6, v27;
	_ =	sdelay $0x1  }
0x14c: {  	v1 =	vadd.f32 v2, v1;
	v2 =	vmul.f32 v4, v32;
	_ =	sdelay $0x1  }
0x14d: {  	v1 =	vadd.f32 v2, v1;
	v2 =	vmul.f32 v3, v28;
	_ =	sdelay $0x1  }
0x14e: {  	v1 =	vadd.f32 v2, v1;
	_ =	sdelay $0x1  }
0x14f: {  	v1 =	vmul.f32 $4.999999890e-03, v1;
	_ =	sdelay $0x1  }
0x150: {  	[tilespmem:$0x8930] =	vst v1  }
0x151: {  	[spmem:s7] =	stream.linear.scatter [tilespmem:s14], [sflag:$0x2], $0x40, $0x38;
	[tilespmem:$0x89C0] =	vst v63  }
0x152: {  	_ =	swait.ge [sflag:s12], $0x40  }
0x153: {  	[sflag:s12] =	ssyncset.done $0x0  }
0x154: {  	[sflag:s12] =	ssyncadd.s32 $0xFFFFFFC0  }
0x155: {  	v1 =	vlaneseq.u32;
	[bflag:$0x0] =	sbarrier.arrive $0xFFFF  }
0x156: {  	v2 =	vmul.u32 $0xC8, v1;
	[tilespmem:s3], [sflag:$0x2] =	stream.linear.gather [spmem:s1], $0x400, $0x38;
	[tilespmem:$0x89C0] =	vst v63  }
0x157: {  	s18 =	simm.s32 $0x3;
	_ =	swait.ge [sflag:s12], $0x400  }
0x158: {  	s19 =	simm.s32 $0x2;
	v1 =	vadd.s32 s18, v2;
	[sflag:s12] =	ssyncset.done $0x0  }
0x159: {  	s20 =	simm.s32 $0x1;
	v3 =	vadd.s32 s19, v2;
	[sflag:s12] =	ssyncadd.s32 $0xFFFFFC00  }
0x15a: {  	v9 =	vadd.s32 s20, v2;
	_ =	swait.ge [sflag:s15], $0x6400  }
0x15b: {  	v10 =	vadd.s32 s3, v2;
	v4 =	vadd.s32 $0xC80, v2;
	[sflag:s15] =	ssyncset.done $0x0  }
0x15c: {  	v7 =	vadd.s32 $0x3200, v2;
	v11 =	vadd.s32 s18, v4;
	[sflag:s15] =	ssyncadd.s32 $0xFFFF9C00  }
0x15d: {  	v8 =	vadd.s32 $0x3E80, v2;
	v12 =	vadd.s32 s18, v7;
	v13 =	vld.idx.msk [tilespmem:v1+s10+$0x0], $0xffff  }
0x15e: {  	v14 =	vadd.s32 s18, v8;
	v15 =	vld.idx.msk [tilespmem:v3+s10+$0x0], $0xffff  }
0x15f: {  	v5 =	vadd.s32 $0x1900, v2;
	v20 =	vadd.s32 s19, v4;
	v16 =	vld.idx.msk [tilespmem:v9+s10+$0x0], $0xffff  }
0x160: {  	v22 =	vadd.s32 s19, v5;
	v17 =	vld.idx.msk [tilespmem:v10+s10+$0x0], $0xffff  }
0x161: {  	v26 =	vadd.s32 s20, v4;
	v11 =	vld.idx.msk [tilespmem:v11+s10+$0x0], $0xffff  }
0x162: {  	v6 =	vadd.s32 $0x2580, v2;
	v27 =	vadd.s32 s20, v5;
	v24 =	vld.idx.msk [tilespmem:v12+s10+$0x0], $0xffff  }
0x163: {  	v28 =	vadd.s32 s20, v6;
	v48 =	vld.idx.msk [tilespmem:v14+s10+$0x0], $0xffff  }
0x164: {  	v30 =	vadd.s32 s3, v5;
	v50 =	vld.idx.msk [tilespmem:v20+s10+$0x0], $0xffff  }
0x165: {  	v52 =	vadd.s32 s3, v6;
	v32 =	vld.idx.msk [tilespmem:v22+s10+$0x0], $0xffff  }
0x166: {  	v53 =	vadd.s32 s3, v7;
	v39 =	vld.idx.msk [tilespmem:v26+s10+$0x0], $0xffff  }
0x167: {  	v1 =	vadd.s32 s18, v5;
	v36 =	vld.idx.msk [tilespmem:v27+s10+$0x0], $0xffff  }
0x168: {  	v3 =	vadd.s32 s18, v6;
	v35 =	vld.idx.msk [tilespmem:v28+s10+$0x0], $0xffff  }
0x169: {  	v12 =	vadd.s32 s19, v6;
	v45 =	vld.idx.msk [tilespmem:v30+s10+$0x0], $0xffff  }
0x16a: {  	v14 =	vadd.s32 s19, v7;
	v43 =	vld.idx.msk [tilespmem:v52+s10+$0x0], $0xffff  }
0x16b: {  	v9 =	vadd.s32 $0x4B00, v2;
	v27 =	vadd.s32 s3, v4;
	v37 =	vld.idx.msk [tilespmem:v53+s10+$0x0], $0xffff  }
0x16c: {  	v18 =	vadd.s32 s18, v9;
	v19 =	vld.idx.msk [tilespmem:v1+s10+$0x0], $0xffff  }
0x16d: {  	v10 =	vadd.s32 $0x5780, v2;
	v20 =	vadd.s32 s19, v9;
	v21 =	vld.idx.msk [tilespmem:v3+s10+$0x0], $0xffff  }
0x16e: {  	v22 =	vadd.s32 s19, v10;
	v29 =	vld.idx.msk [tilespmem:v12+s10+$0x0], $0xffff  }
0x16f: {  	v25 =	vld.idx.msk [tilespmem:v14+s10+$0x0], $0xffff  }
0x170: {  	v46 =	vld.idx.msk [tilespmem:v27+s10+$0x0], $0xffff  }
0x171: {  	v3 =	vld.idx.msk [tilespmem:v18+s10+$0x0], $0xffff  }
0x172: {  	v18 =	vadd.s32 s19, v8;
	v14 =	vld.idx.msk [tilespmem:v20+s10+$0x0], $0xffff  }
0x173: {  	v12 =	vld.idx.msk [tilespmem:v22+s10+$0x0], $0xffff  }
0x174: {  	v41 =	vld.idx.msk [tilespmem:v13+s3+$0x0], $0xffff  }
0x175: {  	v20 =	vadd.s32 s20, v8;
	v44 =	vld.idx.msk [tilespmem:v15+s3+$0x0], $0xffff  }
0x176: {  	v22 =	vadd.s32 s20, v9;
	v47 =	vld.idx.msk [tilespmem:v16+s3+$0x0], $0xffff  }
0x177: {  	v23 =	vld.idx.msk [tilespmem:v18+s10+$0x0], $0xffff;
	v18 =	vadd.s32 s20, v7  }
0x178: {  	v26 =	vadd.s32 s20, v10;
	v49 =	vld.idx.msk [tilespmem:v17+s3+$0x0], $0xffff  }
0x179: {  	v1 =	vadd.s32 s18, v10;
	v42 =	vld.idx.msk [tilespmem:v11+s3+$0x0], $0xffff  }
0x17a: {  	v28 =	vld.idx.msk [tilespmem:v20+s10+$0x0], $0xffff  }
0x17b: {  	v20 =	vld.idx.msk [tilespmem:v22+s10+$0x0], $0xffff  }
0x17c: {  	v22 =	vadd.s32 s3, v8;
	v33 =	vld.idx.msk [tilespmem:v18+s10+$0x0], $0xffff  }
0x17d: {  	v18 =	vld.idx.msk [tilespmem:v26+s10+$0x0], $0xffff;
	v26 =	vadd.s32 s3, v9  }
0x17e: {  	v27 =	vadd.s32 s3, v10;
	v1 =	vld.idx.msk [tilespmem:v1+s10+$0x0], $0xffff  }
0x17f: {  	v40 =	vld.idx.msk [tilespmem:v19+s3+$0x0], $0xffff  }
0x180: {  	v38 =	vld.idx.msk [tilespmem:v21+s3+$0x0], $0xffff  }
0x181: {  	v34 =	vld.idx.msk [tilespmem:v22+s10+$0x0], $0xffff  }
0x182: {  	v30 =	vld.idx.msk [tilespmem:v26+s10+$0x0], $0xffff  }
0x183: {  	v26 =	vld.idx.msk [tilespmem:v27+s10+$0x0], $0xffff  }
0x184: {  	v17 =	vimm.f32 $0.0e+00;
	v16 =	vimm.f32 $0.0e+00;
	v27 =	vld.idx.msk [tilespmem:v24+s3+$0x0], $0xffff  }
0x185: {  	v15 =	vimm.f32 $0.0e+00;
	v13 =	vimm.f32 $0.0e+00;
	v11 =	vimm.f32 $0.0e+00;
	v24 =	vld.idx.msk [tilespmem:v48+s3+$0x0], $0xffff  }
0x186: {  	s18 =	simm.s32 $0x4;
	v21 =	vimm.f32 $0.0e+00;
	v19 =	vimm.f32 $0.0e+00;
	v22 =	vimm.f32 $0.0e+00;
	v48 =	vld.idx.msk [tilespmem:v50+s3+$0x0], $0xffff  }
.LBB2_2:
0x187: {  	p0 =	slt.u32 s18, $0xC4;
	v32 =	vld.idx.msk [tilespmem:v32+s3+$0x0], $0xffff  }
0x188: {  	v29 =	vld.idx.msk [tilespmem:v29+s3+$0x0], $0xffff  }
0x189: {  	v25 =	vld.idx.msk [tilespmem:v25+s3+$0x0], $0xffff  }
0x18a: {  	v23 =	vld.idx.msk [tilespmem:v23+s3+$0x0], $0xffff  }
0x18b: {  	v39 =	vld.idx.msk [tilespmem:v39+s3+$0x0], $0xffff  }
0x18c: {  	v46 =	vld.idx.msk [tilespmem:v46+s3+$0x0], $0xffff  }
0x18d: {  	v45 =	vld.idx.msk [tilespmem:v45+s3+$0x0], $0xffff  }
0x18e: {  	v43 =	vld.idx.msk [tilespmem:v43+s3+$0x0], $0xffff  }
0x18f: {  	v36 =	vld.idx.msk [tilespmem:v36+s3+$0x0], $0xffff  }
0x190: {  	v35 =	vld.idx.msk [tilespmem:v35+s3+$0x0], $0xffff  }
0x191: {  	s20 =	sadd.s32 $0x2, s18;
	s21 =	sadd.s32 $0x3, s18;
	v33 =	vld.idx.msk [tilespmem:v33+s3+$0x0], $0xffff  }
0x192: {  	s19 =	sadd.s32 $0x1, s18;
	v50 =	vadd.s32 s20, v2;
	v51 =	vadd.s32 s21, v2;
	v28 =	vld.idx.msk [tilespmem:v28+s3+$0x0], $0xffff  }
0x193: {  	v22 =	vadd.f32 v49, v22;
	v52 =	vadd.s32 s19, v2;
	v21 =	vadd.f32 v46, v21;
	v37 =	vld.idx.msk [tilespmem:v37+s3+$0x0], $0xffff  }
0x194: {  	v46 =	vadd.s32 s18, v2;
	v19 =	vadd.f32 v45, v19;
	v17 =	vadd.f32 v43, v17;
	v34 =	vld.idx.msk [tilespmem:v34+s3+$0x0], $0xffff  }
0x195: {  	v22 =	vadd.f32 v47, v22;
	v21 =	vadd.f32 v39, v21;
	v30 =	vld.idx.msk [tilespmem:v30+s3+$0x0], $0xffff  }
0x196: {  	v19 =	vadd.f32 v36, v19;
	v17 =	vadd.f32 v35, v17;
	v26 =	vld.idx.msk [tilespmem:v26+s3+$0x0], $0xffff  }
0x197: {  	v22 =	vadd.f32 v44, v22;
	v21 =	vadd.f32 v48, v21;
	v20 =	vld.idx.msk [tilespmem:v20+s3+$0x0], $0xffff  }
0x198: {  	v19 =	vadd.f32 v32, v19;
	v17 =	vadd.f32 v29, v17;
	v18 =	vld.idx.msk [tilespmem:v18+s3+$0x0], $0xffff  }
0x199: {  	v22 =	vadd.f32 v41, v22;
	v21 =	vadd.f32 v42, v21;
	v14 =	vld.idx.msk [tilespmem:v14+s3+$0x0], $0xffff  }
0x19a: {  	v19 =	vadd.f32 v40, v19;
	v17 =	vadd.f32 v38, v17;
	v12 =	vld.idx.msk [tilespmem:v12+s3+$0x0], $0xffff  }
0x19b: {  	v16 =	vadd.f32 v37, v16;
	v15 =	vadd.f32 v34, v15;
	v3 =	vld.idx.msk [tilespmem:v3+s3+$0x0], $0xffff  }
0x19c: {  	v29 =	vadd.s32 s21, v4;
	v13 =	vadd.f32 v30, v13;
	v11 =	vadd.f32 v26, v11;
	v1 =	vld.idx.msk [tilespmem:v1+s3+$0x0], $0xffff  }
0x19d: {  	v16 =	vadd.f32 v33, v16;
	v26 =	vadd.s32 s21, v5;
	v15 =	vadd.f32 v28, v15;
	v38 =	vld.idx.msk [tilespmem:v51+s10+$0x0], $0xffff  }
0x19e: {  	v28 =	vadd.s32 s21, v6;
	v13 =	vadd.f32 v20, v13;
	v11 =	vadd.f32 v18, v11;
	v40 =	vld.idx.msk [tilespmem:v50+s10+$0x0], $0xffff  }
0x19f: {  	v16 =	vadd.f32 v25, v16;
	v18 =	vadd.s32 s21, v7;
	v15 =	vadd.f32 v23, v15;
	v42 =	vld.idx.msk [tilespmem:v52+s10+$0x0], $0xffff  }
0x1a0: {  	v20 =	vadd.s32 s21, v8;
	v13 =	vadd.f32 v14, v13;
	v11 =	vadd.f32 v12, v11;
	v48 =	vld.idx.msk [tilespmem:v46+s10+$0x0], $0xffff  }
0x1a1: {  	v16 =	vadd.f32 v27, v16;
	v12 =	vadd.s32 s21, v9;
	v15 =	vadd.f32 v24, v15;
	v50 =	vld.idx.msk [tilespmem:v29+s10+$0x0], $0xffff  }
0x1a2: {  	v14 =	vadd.s32 s21, v10;
	v13 =	vadd.f32 v3, v13;
	v11 =	vadd.f32 v1, v11;
	v24 =	vld.idx.msk [tilespmem:v26+s10+$0x0], $0xffff  }
0x1a3: {  	v23 =	vadd.s32 s20, v4;
	v27 =	vld.idx.msk [tilespmem:v28+s10+$0x0], $0xffff  }
0x1a4: {  	v25 =	vadd.s32 s20, v5;
	v51 =	vld.idx.msk [tilespmem:v18+s10+$0x0], $0xffff  }
0x1a5: {  	v18 =	vadd.s32 s20, v6;
	v52 =	vld.idx.msk [tilespmem:v20+s10+$0x0], $0xffff  }
0x1a6: {  	v20 =	vadd.s32 s20, v7;
	v3 =	vld.idx.msk [tilespmem:v12+s10+$0x0], $0xffff  }
0x1a7: {  	v12 =	vadd.s32 s20, v8;
	v1 =	vld.idx.msk [tilespmem:v14+s10+$0x0], $0xffff  }
0x1a8: {  	v14 =	vadd.s32 s20, v9;
	v53 =	vld.idx.msk [tilespmem:v23+s10+$0x0], $0xffff  }
0x1a9: {  	v26 =	vadd.s32 s20, v10;
	v32 =	vld.idx.msk [tilespmem:v25+s10+$0x0], $0xffff  }
0x1aa: {  	v28 =	vadd.s32 s19, v4;
	v29 =	vld.idx.msk [tilespmem:v18+s10+$0x0], $0xffff  }
0x1ab: {  	v18 =	vadd.s32 s19, v5;
	v25 =	vld.idx.msk [tilespmem:v20+s10+$0x0], $0xffff  }
0x1ac: {  	v20 =	vadd.s32 s19, v6;
	v23 =	vld.idx.msk [tilespmem:v12+s10+$0x0], $0xffff  }
0x1ad: {  	v30 =	vadd.s32 s19, v7;
	v14 =	vld.idx.msk [tilespmem:v14+s10+$0x0], $0xffff  }
0x1ae: {  	v34 =	vadd.s32 s19, v8;
	v12 =	vld.idx.msk [tilespmem:v26+s10+$0x0], $0xffff  }
0x1af: {  	v26 =	vadd.s32 s19, v9;
	v39 =	vld.idx.msk [tilespmem:v28+s10+$0x0], $0xffff  }
0x1b0: {  	v36 =	vld.idx.msk [tilespmem:v18+s10+$0x0], $0xffff;
	v18 =	vadd.s32 s19, v10  }
0x1b1: {  	v37 =	vadd.s32 s18, v4;
	v35 =	vld.idx.msk [tilespmem:v20+s10+$0x0], $0xffff  }
0x1b2: {  	v41 =	vadd.s32 s18, v5;
	v33 =	vld.idx.msk [tilespmem:v30+s10+$0x0], $0xffff  }
0x1b3: {  	v30 =	vadd.s32 s18, v6;
	v28 =	vld.idx.msk [tilespmem:v34+s10+$0x0], $0xffff  }
0x1b4: {  	v34 =	vadd.s32 s18, v7;
	v20 =	vld.idx.msk [tilespmem:v26+s10+$0x0], $0xffff  }
0x1b5: {  	v26 =	vadd.s32 s18, v8;
	v18 =	vld.idx.msk [tilespmem:v18+s10+$0x0], $0xffff  }
0x1b6: {  	v44 =	vadd.s32 s18, v9;
	v46 =	vld.idx.msk [tilespmem:v37+s10+$0x0], $0xffff  }
0x1b7: {  	v45 =	vld.idx.msk [tilespmem:v41+s10+$0x0], $0xffff;
	v41 =	vadd.s32 s18, v10  }
0x1b8: {  	v43 =	vld.idx.msk [tilespmem:v30+s10+$0x0], $0xffff  }
0x1b9: {  	v37 =	vld.idx.msk [tilespmem:v34+s10+$0x0], $0xffff  }
0x1ba: {  	v34 =	vld.idx.msk [tilespmem:v26+s10+$0x0], $0xffff  }
0x1bb: {  	v30 =	vld.idx.msk [tilespmem:v44+s10+$0x0], $0xffff  }
0x1bc: {  	v26 =	vld.idx.msk [tilespmem:v41+s10+$0x0], $0xffff  }
0x1bd: {  	v41 =	vld.idx.msk [tilespmem:v38+s3+$0x0], $0xffff  }
0x1be: {  	v44 =	vld.idx.msk [tilespmem:v40+s3+$0x0], $0xffff  }
0x1bf: {  	v47 =	vld.idx.msk [tilespmem:v42+s3+$0x0], $0xffff  }
0x1c0: {  	v49 =	vld.idx.msk [tilespmem:v48+s3+$0x0], $0xffff  }
0x1c1: {  	v42 =	vld.idx.msk [tilespmem:v50+s3+$0x0], $0xffff  }
.Ltmp0:
0x1c2: {  	v40 =	vld.idx.msk [tilespmem:v24+s3+$0x0], $0xffff;
	(pc) =	sbr.rel @p0 .LBB2_2-.Ltmp0, $4  }
0x1c3: {  	v38 =	vld.idx.msk [tilespmem:v27+s3+$0x0], $0xffff  }
0x1c4: {  	v27 =	vld.idx.msk [tilespmem:v51+s3+$0x0], $0xffff  }
0x1c5: {  	v24 =	vld.idx.msk [tilespmem:v52+s3+$0x0], $0xffff  }
0x1c6: {  	s18 =	sadd.s32 $0x4, s18;
	v48 =	vld.idx.msk [tilespmem:v53+s3+$0x0], $0xffff  }
0x1c7: {  	v2 =	vadd.f32 v49, v22;
	_ =	sdelay $0x1  }
0x1c8: {  	v2 =	vadd.f32 v47, v2;
	_ =	sdelay $0x1  }
0x1c9: {  	v2 =	vadd.f32 v44, v2;
	_ =	sdelay $0x1  }
0x1ca: {  	v2 =	vadd.f32 v41, v2;
	_ =	sdelay $0x1  }
0x1cb: {  	v4 =	vld.idx.msk [tilespmem:v46+s3+$0x0], $0xffff;
	v2 =	vsub.f32 $0.0e+00, v2;
	_ =	sdelay $0x1  }
0x1cc: {  	v5 =	vld.idx.msk [tilespmem:v39+s3+$0x0], $0xffff;
	v2 =	vmul.f32 $1.442695020e+00, v2;
	_ =	sdelay $0x1  }
0x1cd: {  	(erf) = vpow2.f32 v2  }
0x1ce: {  	v2 =	vadd.f32 v4, v21;
	_ =	sdelay $0x1  }
0x1cf: {  	v2 =	vadd.f32 v5, v2;
	_ =	sdelay $0x1  }
0x1d0: {  	v2 =	vadd.f32 v48, v2;
	_ =	sdelay $0x1  }
0x1d1: {  	v2 =	vadd.f32 v42, v2;
	_ =	sdelay $0x1  }
0x1d2: {  	v53 =	vld.idx.msk [tilespmem:v45+s3+$0x0], $0xffff;
	v2 =	vsub.f32 $0.0e+00, v2;
	v9 =	vpop (erf)  }
0x1d3: {  	v5 =	vadd.f32 $1.000000000e+00, v9  }
0x1d4: {  	v6 =	vld.idx.msk [tilespmem:v36+s3+$0x0], $0xffff;
	v2 =	vmul.f32 $1.442695020e+00, v2  }
0x1d5: {  	(erf) = vrcp.f32 v5  }
0x1d6: {  	v10 =	vld.idx.msk [tilespmem:v32+s3+$0x0], $0xffff;
	(erf) = vpow2.f32 v2  }
0x1d7: {  	v2 =	vadd.f32 v53, v19;
	_ =	sdelay $0x1  }
0x1d8: {  	v2 =	vadd.f32 v6, v2;
	_ =	sdelay $0x1  }
0x1d9: {  	v2 =	vadd.f32 v10, v2;
	_ =	sdelay $0x1  }
0x1da: {  	v2 =	vadd.f32 v40, v2  }
0x1db: {  	v21 =	vpop (erf)  }
0x1dc: {  	v22 =	vld.idx.msk [tilespmem:v43+s3+$0x0], $0xffff;
	v2 =	vsub.f32 $0.0e+00, v2;
	v32 =	vpop (erf)  }
0x1dd: {  	v6 =	vadd.f32 $1.000000000e+00, v32  }
0x1de: {  	v7 =	vld.idx.msk [tilespmem:v35+s3+$0x0], $0xffff;
	v2 =	vmul.f32 $1.442695020e+00, v2  }
0x1df: {  	(erf) = vrcp.f32 v6  }
0x1e0: {  	v35 =	vld.idx.msk [tilespmem:v29+s3+$0x0], $0xffff;
	(erf) = vpow2.f32 v2  }
0x1e1: {  	v2 =	vadd.f32 v22, v17;
	_ =	sdelay $0x1  }
0x1e2: {  	v2 =	vadd.f32 v7, v2;
	_ =	sdelay $0x1  }
0x1e3: {  	v2 =	vadd.f32 v35, v2;
	_ =	sdelay $0x1  }
0x1e4: {  	v2 =	vadd.f32 v38, v2  }
0x1e5: {  	v36 =	vpop (erf)  }
0x1e6: {  	v37 =	vld.idx.msk [tilespmem:v37+s3+$0x0], $0xffff;
	v2 =	vsub.f32 $0.0e+00, v2;
	v38 =	vpop (erf)  }
0x1e7: {  	v7 =	vadd.f32 $1.000000000e+00, v38  }
0x1e8: {  	v8 =	vld.idx.msk [tilespmem:v33+s3+$0x0], $0xffff;
	v2 =	vmul.f32 $1.442695020e+00, v2  }
0x1e9: {  	(erf) = vrcp.f32 v7  }
0x1ea: {  	v39 =	vld.idx.msk [tilespmem:v25+s3+$0x0], $0xffff;
	(erf) = vpow2.f32 v2  }
0x1eb: {  	v2 =	vadd.f32 v37, v16;
	_ =	sdelay $0x1  }
0x1ec: {  	v2 =	vadd.f32 v8, v2;
	_ =	sdelay $0x1  }
0x1ed: {  	v2 =	vadd.f32 v39, v2;
	_ =	sdelay $0x1  }
0x1ee: {  	v2 =	vadd.f32 v27, v2  }
0x1ef: {  	v40 =	vpop (erf)  }
0x1f0: {  	v41 =	vld.idx.msk [tilespmem:v34+s3+$0x0], $0xffff;
	v2 =	vsub.f32 $0.0e+00, v2;
	v42 =	vpop (erf)  }
0x1f1: {  	v8 =	vadd.f32 $1.000000000e+00, v42  }
0x1f2: {  	v9 =	vld.idx.msk [tilespmem:v28+s3+$0x0], $0xffff;
	v2 =	vmul.f32 $1.442695020e+00, v2  }
0x1f3: {  	(erf) = vrcp.f32 v8  }
0x1f4: {  	v43 =	vld.idx.msk [tilespmem:v23+s3+$0x0], $0xffff;
	(erf) = vpow2.f32 v2  }
0x1f5: {  	v2 =	vadd.f32 v41, v15;
	_ =	sdelay $0x1  }
0x1f6: {  	v2 =	vadd.f32 v9, v2;
	_ =	sdelay $0x1  }
0x1f7: {  	v2 =	vadd.f32 v43, v2;
	_ =	sdelay $0x1  }
0x1f8: {  	v2 =	vadd.f32 v24, v2  }
0x1f9: {  	v44 =	vpop (erf)  }
0x1fa: {  	v45 =	vld.idx.msk [tilespmem:v30+s3+$0x0], $0xffff;
	v2 =	vsub.f32 $0.0e+00, v2;
	v46 =	vpop (erf)  }
0x1fb: {  	v9 =	vadd.f32 $1.000000000e+00, v46  }
0x1fc: {  	v10 =	vld.idx.msk [tilespmem:v20+s3+$0x0], $0xffff;
	v2 =	vmul.f32 $1.442695020e+00, v2  }
0x1fd: {  	(erf) = vrcp.f32 v9  }
0x1fe: {  	v47 =	vld.idx.msk [tilespmem:v14+s3+$0x0], $0xffff;
	(erf) = vpow2.f32 v2  }
0x1ff: {  	v2 =	vadd.f32 v45, v13  }
0x200: {  	v3 =	vld.idx.msk [tilespmem:v3+s3+$0x0], $0xffff  }
0x201: {  	v2 =	vadd.f32 v10, v2;
	_ =	sdelay $0x1  }
0x202: {  	v2 =	vadd.f32 v47, v2;
	_ =	sdelay $0x1  }
0x203: {  	v2 =	vadd.f32 v3, v2  }
0x204: {  	v48 =	vld.idx.msk [tilespmem:v26+s3+$0x0], $0xffff;
	v3 =	vpop (erf)  }
0x205: {  	v2 =	vsub.f32 $0.0e+00, v2;
	v49 =	vpop (erf)  }
0x206: {  	v50 =	vld.idx.msk [tilespmem:v18+s3+$0x0], $0xffff;
	v9 =	vadd.f32 $1.000000000e+00, v49  }
0x207: {  	v2 =	vmul.f32 $1.442695020e+00, v2  }
0x208: {  	v51 =	vld.idx.msk [tilespmem:v12+s3+$0x0], $0xffff;
	(erf) = vrcp.f32 v9  }
0x209: {  	(erf) = vpow2.f32 v2;
	v2 =	vadd.f32 v48, v11;
	_ =	sdelay $0x1  }
0x20a: {  	v1 =	vld.idx.msk [tilespmem:v1+s3+$0x0], $0xffff;
	v2 =	vadd.f32 v50, v2;
	_ =	sdelay $0x1  }
0x20b: {  	v2 =	vadd.f32 v51, v2;
	_ =	sdelay $0x2  }
0x20c: {  	v1 =	vadd.f32 v1, v2  }
0x20d: {  	v2 =	vpop (erf)  }
0x20e: {  	v1 =	vsub.f32 $0.0e+00, v1;
	v52 =	vpop (erf)  }
0x20f: {  	v8 =	vadd.f32 $1.000000000e+00, v52  }
0x210: {  	v1 =	vmul.f32 $1.442695020e+00, v1  }
0x211: {  	(erf) = vrcp.f32 v8  }
0x212: {  	(erf) = vpow2.f32 v1;
	_ =	sdelay $0x7  }
0x213: {  	v1 =	vpop (erf)  }
0x214: {  	v53 =	vpop (erf)  }
0x215: {  	v8 =	vadd.f32 $1.000000000e+00, v53;
	_ =	sdelay $0x1  }
0x216: {  	(erf) = vrcp.f32 v8;
	_ =	sdelay $0x2  }
0x217: {  	[tilespmem:$0x6800] =	vst v21  }
0x218: {  	[tilespmem:$0x6810] =	vst v36  }
0x219: {  	[tilespmem:$0x6820] =	vst v40  }
0x21a: {  	[tilespmem:$0x6830] =	vst v44  }
0x21b: {  	[tilespmem:$0x6840] =	vst v3  }
0x21c: {  	s17 =	sadd.s32 $0x1, s17;
	[tilespmem:$0x6850] =	vst v2  }
0x21d: {  	p0 =	sne.s32 s17, s9;
	[tilespmem:$0x6860] =	vst v1;
	v1 =	vpop (erf)  }
.Ltmp1:
0x21e: {  	[tilespmem:$0x6870] =	vst v1;
	(pc) =	sbr.rel @p0 .LBB2_1-.Ltmp1, $4  }
0x21f: {  	[hbm4b:s8+s3] =	stream.linear.scatter [tilespmem:s16], [sflag:$0x2], $0x80, $0x38;
	[tilespmem:$0x89C0] =	vst v63  }
0x220: {  	_ =	swait.ge [sflag:s12], $0x80  }
0x221: {  	[sflag:s12] =	ssyncset.done $0x0  }
0x222: {  	[sflag:s12] =	ssyncadd.s32 $0xFFFFFF80  }
0x223: {  	_ =	sfence.sel $0x180000  }
0x224: {  	[bflag:$0x0] =	sbarrier.arrive $0xFFFF  }
0x225: {  	p0 =	sne.s32 s2, $0x0;
	_ =	strace $0x90000047  }
0x226: {  	s0 =	sadd.s32 @!p0 $0x100000, s0;
	[bflag:$0x2] =	sbarrier.arrive $0xFFFF  }
0x227: {  	[sflag:s0] =	ssyncadd.tile.s32 @!p0 $0x1;
	_ =	shalt  }
.Lfunc_end2:
_tile_overlayer_lowered:
.L_overlay_start_2:
0x228: {  	(tag) =	ssettag $0x2  }
0x229: {  	s0 =	rddreg [dreg:$0x0];
	s2 =	stileid.u32  }
0x22a: {  	s1 =	rddreg [dreg:$0x1];
	p0 =	sne.s32 s2, $0x0  }
0x22b: {  	s3 =	rddreg [dreg:$0x2];
	[bflag:$0x3] =	sbarrier.arrive $0xFFFF;
	s2 =	simm.s32 @!p0 $0x1C02  }
0x22c: {  	[timem:s3], [sflag:s2] =	dma.local @!p0 [hbm:s0], s1  }
0x22d: {  	s0 =	simm.s32 @!p0 $0x2  }
0x22e: {  	_ =	swait.ge @!p0 [sflag:s0], s1  }
0x22f: {  	s1 =	ssub.s32 @!p0 $0x0, s1;
	[sflag:s0] =	ssyncset.done @!p0 $0x0  }
0x230: {  	[sflag:s0] =	ssyncadd.s32 @!p0 s1  }
0x231: {  	[bflag:$0x3] =	sbarrier.arrive $0xFFFF  }
0x232: {  	_ =	shalt  }

</sc_bundles>
